<compile_context>
chip_gen: v7x
topology: tpu7x:2x2x1
jax: 0.10.2.dev20260603
libtpu: 0.0.44.dev20260713+nightly
codegen_flags: <defaults>
</compile_context>

<pallas_src>
import jax
import jax.numpy as jnp
from jax import lax
from jax.experimental import pallas as pl
from jax.experimental.pallas import tpu as pltpu
from jax.experimental.pallas import tpu_sc as plsc

N_ROWS = 16384
IN_CH = 2048
L = 16
NC = 2
NS = 16
NW = NC * NS
ROWS_PER_W = N_ROWS // NW
CHUNK = 8
CE = CHUNK * IN_CH
N_STEPS = ROWS_PER_W // CHUNK
NG = IN_CH // L
UNROLL = 8
NBUF = 3


def _permute_body(x_hbm, p_hbm, out_hbm, p_v, *rest):
    xins = rest[:NBUF]
    xouts = rest[NBUF:2 * NBUF]
    sis = rest[2 * NBUF:3 * NBUF]
    sos = rest[3 * NBUF:4 * NBUF]

    wid = lax.axis_index("s") * NC + lax.axis_index("c")
    row0 = wid * ROWS_PER_W
    pltpu.sync_copy(p_hbm, p_v)

    def start_in(c, b):
        src = x_hbm.at[pl.ds(row0 + c * CHUNK, CHUNK), :]
        pltpu.async_copy(src, xins[b], sis[b])

    def start_out(c, b):
        dst = out_hbm.at[pl.ds(row0 + c * CHUNK, CHUNK), :]
        pltpu.async_copy(xouts[b], dst, sos[b])

    def wait_in(b):
        pltpu.make_async_copy(x_hbm.at[pl.ds(row0, CHUNK), :], xins[b], sis[b]).wait()

    def wait_out(b):
        pltpu.make_async_copy(xouts[b], out_hbm.at[pl.ds(row0, CHUNK), :], sos[b]).wait()

    for b in range(NBUF):
        start_in(b, b)

    def chunk_body(c, b):
        @pl.when(c >= NBUF)
        def _():
            wait_out(b)
        wait_in(b)

        @plsc.parallel_loop(0, NG, 1, unroll=UNROLL)
        def _(g):
            off = pl.multiple_of(g * L, L)
            idx = p_v[pl.ds(off, L)]
            for r in range(CHUNK):
                row_idx = jnp.full((L,), r, jnp.int32)
                v = plsc.load_gather(xins[b], [row_idx, idx])
                xouts[b][r, pl.ds(off, L)] = v

        start_out(c, b)

        @pl.when(c + NBUF < N_STEPS)
        def _():
            start_in(c + NBUF, b)

    def ring_body(i, carry):
        for b in range(NBUF):
            chunk_body(NBUF * i + b, b)
        return carry

    lax.fori_loop(0, N_STEPS // NBUF, ring_body, 0)
    for c in range(N_STEPS - (N_STEPS % NBUF), N_STEPS):
        chunk_body(c, c % NBUF)
    for b in range(NBUF):
        wait_out(b)


@jax.jit
def _permute(x, p):
    mesh = plsc.VectorSubcoreMesh(core_axis_name="c", subcore_axis_name="s")
    return pl.kernel(
        _permute_body,
        out_type=jax.ShapeDtypeStruct((N_ROWS, IN_CH), jnp.float32),
        mesh=mesh,
        scratch_types=(
            [pltpu.VMEM((IN_CH,), jnp.int32)]
            + [pltpu.VMEM((CHUNK, IN_CH), jnp.float32) for _ in range(2 * NBUF)]
            + [pltpu.SemaphoreType.DMA for _ in range(2 * NBUF)]
        ),
        compiler_params=pltpu.CompilerParams(needs_layout_passes=False),
    )(x, p)


def kernel(x, p):
    out = _permute(x, p.astype(jnp.int32))
    return (out, 0)

# --- scband reference (transcript-rebuilt; emitter-appended) ---
"""Pipeline reference for scband-permutation-33354716020777 (READ-ONLY COPY).

The authoritative reference and input builder live on the scoring server;
editing this copy changes nothing except your own understanding.
"""

import jax, jax.numpy as jnp
import numpy as np

IN_CH = 2048
N_ROWS = 16384

def setup_inputs(seed: int = 0) -> dict:
    key = jax.random.key(seed)
    k1, k2 = jax.random.split(key)
    x = jax.random.normal(k1, (N_ROWS, IN_CH), dtype=jnp.float32)
    # buffer: random permutation of channels (torch.randperm equivalent)
    p = jax.random.permutation(k2, IN_CH)
    return {"x": x, "p": p}

def reference(x, p):
    # forward: out = x[:, self.p]; returns (out, 0)
    out = jnp.take(x, p, axis=1)
    return (out, 0)

if __name__ == "__main__":
    import jax
    _d = setup_inputs()
    print(jax.jit(kernel)(*tuple(_d.values())))

</pallas_src>

<mosaic_0001>
#map = affine_map<(d0, d1) -> (0, 0)>
#map1 = affine_map<(d0, d1) -> (0)>
module attributes {stable_mosaic.version = 14 : i64} {
  func.func @_permute_body(%arg0: i32, %arg1: i32, %arg2: memref<16384x2048xf32, #tpu.memory_space<hbm>>, %arg3: memref<2048xi32, #tpu.memory_space<hbm>>, %arg4: memref<16384x2048xf32, #tpu.memory_space<hbm>>, %arg5: memref<2048xi32, #tpu.memory_space<vmem>>, %arg6: memref<8x2048xf32, #tpu.memory_space<vmem>>, %arg7: memref<8x2048xf32, #tpu.memory_space<vmem>>, %arg8: memref<8x2048xf32, #tpu.memory_space<vmem>>, %arg9: memref<8x2048xf32, #tpu.memory_space<vmem>>, %arg10: memref<8x2048xf32, #tpu.memory_space<vmem>>, %arg11: memref<8x2048xf32, #tpu.memory_space<vmem>>, %arg12: memref<!tpu.dma_semaphore, #tpu.memory_space<semaphore_mem>>, %arg13: memref<!tpu.dma_semaphore, #tpu.memory_space<semaphore_mem>>, %arg14: memref<!tpu.dma_semaphore, #tpu.memory_space<semaphore_mem>>, %arg15: memref<!tpu.dma_semaphore, #tpu.memory_space<semaphore_mem>>, %arg16: memref<!tpu.dma_semaphore, #tpu.memory_space<semaphore_mem>>, %arg17: memref<!tpu.dma_semaphore, #tpu.memory_space<semaphore_mem>>) attributes {dimension_semantics = [#tpu.dimension_semantics<core_parallel>, #tpu.dimension_semantics<subcore_parallel>], iteration_bounds = array<i64: 2, 16>, scalar_prefetch = 0 : i64, scratch_operands = 13 : i64, tpu.core_type = #tpu.core_type<sc_vector_subcore>, window_params = [{transform_indices = #map}, {transform_indices = #map1}, {transform_indices = #map}]} {
    %mul3A = arith.constant 2 : i32
    %mul3A_0 = arith.muli %arg1, %mul3A : i32
    %add3A = arith.addi %mul3A_0, %arg0 : i32
    %mul3A_1 = arith.constant 512 : i32
    %mul3A_2 = arith.muli %add3A, %mul3A_1 : i32
    "tpu.region"() ({
      %run_scoped3A = tpu.sem_alloc : memref<!tpu.dma_semaphore, #tpu.memory_space<semaphore_mem>>
      tpu.enqueue_dma source(%arg3 : memref<2048xi32, #tpu.memory_space<hbm>>) target(%arg5 : memref<2048xi32, #tpu.memory_space<vmem>>) target_semaphore(%run_scoped3A : memref<!tpu.dma_semaphore, #tpu.memory_space<semaphore_mem>>)
      tpu.wait_dma2 semaphore(%run_scoped3A : memref<!tpu.dma_semaphore, #tpu.memory_space<semaphore_mem>>) src(%arg3 : memref<2048xi32, #tpu.memory_space<hbm>>) dst(%arg5 : memref<2048xi32, #tpu.memory_space<vmem>>)
      tpu.yield
    }) : () -> ()
    %add3A_3 = arith.constant 0 : i32
    %add3A_4 = arith.addi %mul3A_2, %add3A_3 : i32
    %dma_start3A = arith.constant 0 : i32
    %dma_start3A_5 = tpu.memref_slice %arg2[%add3A_4, %dma_start3A] : memref<16384x2048xf32, #tpu.memory_space<hbm>> -> memref<8x2048xf32, #tpu.memory_space<hbm>>
    %dma_start3A_6 = arith.constant 0 : i32
    %dma_start3A_7 = tpu.memref_slice %arg2[%add3A_4, %dma_start3A_6] : memref<16384x2048xf32, #tpu.memory_space<hbm>> -> memref<8x2048xf32, #tpu.memory_space<hbm>>
    tpu.enqueue_dma source(%dma_start3A_7 : memref<8x2048xf32, #tpu.memory_space<hbm>>) target(%arg6 : memref<8x2048xf32, #tpu.memory_space<vmem>>) target_semaphore(%arg12 : memref<!tpu.dma_semaphore, #tpu.memory_space<semaphore_mem>>)
    %add3A_8 = arith.constant 8 : i32
    %add3A_9 = arith.addi %mul3A_2, %add3A_8 : i32
    %dma_start3A_10 = arith.constant 0 : i32
    %dma_start3A_11 = tpu.memref_slice %arg2[%add3A_9, %dma_start3A_10] : memref<16384x2048xf32, #tpu.memory_space<hbm>> -> memref<8x2048xf32, #tpu.memory_space<hbm>>
    %dma_start3A_12 = arith.constant 0 : i32
    %dma_start3A_13 = tpu.memref_slice %arg2[%add3A_9, %dma_start3A_12] : memref<16384x2048xf32, #tpu.memory_space<hbm>> -> memref<8x2048xf32, #tpu.memory_space<hbm>>
    tpu.enqueue_dma source(%dma_start3A_13 : memref<8x2048xf32, #tpu.memory_space<hbm>>) target(%arg7 : memref<8x2048xf32, #tpu.memory_space<vmem>>) target_semaphore(%arg13 : memref<!tpu.dma_semaphore, #tpu.memory_space<semaphore_mem>>)
    %add3A_14 = arith.constant 16 : i32
    %add3A_15 = arith.addi %mul3A_2, %add3A_14 : i32
    %dma_start3A_16 = arith.constant 0 : i32
    %dma_start3A_17 = tpu.memref_slice %arg2[%add3A_15, %dma_start3A_16] : memref<16384x2048xf32, #tpu.memory_space<hbm>> -> memref<8x2048xf32, #tpu.memory_space<hbm>>
    %dma_start3A_18 = arith.constant 0 : i32
    %dma_start3A_19 = tpu.memref_slice %arg2[%add3A_15, %dma_start3A_18] : memref<16384x2048xf32, #tpu.memory_space<hbm>> -> memref<8x2048xf32, #tpu.memory_space<hbm>>
    tpu.enqueue_dma source(%dma_start3A_19 : memref<8x2048xf32, #tpu.memory_space<hbm>>) target(%arg8 : memref<8x2048xf32, #tpu.memory_space<vmem>>) target_semaphore(%arg14 : memref<!tpu.dma_semaphore, #tpu.memory_space<semaphore_mem>>)
    %scan3A = arith.constant 0 : i32
    %scan3A_20 = arith.constant 0 : i32
    %scan3A_21 = arith.constant 21 : i32
    %scan3A_22 = arith.addi %scan3A_20, %scan3A_21 : i32
    %scan3A_23 = arith.constant 1 : i32
    scf.for %scan3A_52 = %scan3A_20 to %scan3A_22 step %scan3A_23  : i32 {
      %mul3A_53 = arith.constant 3 : i32
      %mul3A_54 = arith.muli %mul3A_53, %scan3A_52 : i32
      %add3A_55 = arith.constant 0 : i32
      %add3A_56 = arith.addi %mul3A_54, %add3A_55 : i32
      %ge3A = arith.constant 3 : i32
      %ge3A_57 = arith.cmpi sge, %add3A_56, %ge3A : i32
      %convert_element_type3A = arith.extui %ge3A_57 : i1 to i32
      %cond3A = arith.constant 0 : i32
      %cond3A_58 = arith.cmpi ne, %convert_element_type3A, %cond3A : i32
      scf.if %cond3A_58 {
        %dma_wait3A_139 = arith.constant 0 : i32
        %dma_wait3A_140 = tpu.memref_slice %arg4[%mul3A_2, %dma_wait3A_139] : memref<16384x2048xf32, #tpu.memory_space<hbm>> -> memref<8x2048xf32, #tpu.memory_space<hbm>>
        %dma_wait3A_141 = arith.constant 0 : i32
        %dma_wait3A_142 = tpu.memref_slice %arg4[%mul3A_2, %dma_wait3A_141] : memref<16384x2048xf32, #tpu.memory_space<hbm>> -> memref<8x2048xf32, #tpu.memory_space<hbm>>
        tpu.wait_dma2 semaphore(%arg15 : memref<!tpu.dma_semaphore, #tpu.memory_space<semaphore_mem>>) src(%arg9 : memref<8x2048xf32, #tpu.memory_space<vmem>>) dst(%dma_wait3A_142 : memref<8x2048xf32, #tpu.memory_space<hbm>>)
      } else {
      }
      %dma_wait3A_59 = arith.constant 0 : i32
      %dma_wait3A_60 = tpu.memref_slice %arg2[%mul3A_2, %dma_wait3A_59] : memref<16384x2048xf32, #tpu.memory_space<hbm>> -> memref<8x2048xf32, #tpu.memory_space<hbm>>
      %dma_wait3A_61 = arith.constant 0 : i32
      %dma_wait3A_62 = tpu.memref_slice %arg2[%mul3A_2, %dma_wait3A_61] : memref<16384x2048xf32, #tpu.memory_space<hbm>> -> memref<8x2048xf32, #tpu.memory_space<hbm>>
      tpu.wait_dma2 semaphore(%arg12 : memref<!tpu.dma_semaphore, #tpu.memory_space<semaphore_mem>>) src(%dma_wait3A_62 : memref<8x2048xf32, #tpu.memory_space<hbm>>) dst(%arg6 : memref<8x2048xf32, #tpu.memory_space<vmem>>)
      %parallel_loop3A_63 = arith.constant 0 : i32
      %parallel_loop3A_64 = arith.constant 128 : i32
      %parallel_loop3A_65 = arith.constant 1 : i32
      scf.for %parallel_loop3A_139 = %parallel_loop3A_63 to %parallel_loop3A_64 step %parallel_loop3A_65  : i32 {
        %parallel_loop3A_140 = arith.constant 16 : i32
        %parallel_loop3A_141 = arith.muli %parallel_loop3A_139, %parallel_loop3A_140 : i32
        %parallel_loop3A_142 = tpu.assume_multiple %parallel_loop3A_141, 16 : i32
        %parallel_loop3A_143 = arith.index_cast %parallel_loop3A_142 : i32 to index
        %parallel_loop3A_144 = tpu.vector_load %arg5[%parallel_loop3A_143] {strides = array<i32>} : memref<2048xi32, #tpu.memory_space<vmem>>, vector<16xi32>,
        %parallel_loop3A_145 = arith.constant 0 : i32
        %parallel_loop3A_146 = vector.broadcast %parallel_loop3A_145 : i32 to vector<16xi32>
        %parallel_loop3A_147 = tpu.vector_load_idx %arg6[%parallel_loop3A_146, %parallel_loop3A_144] : memref<8x2048xf32, #tpu.memory_space<vmem>>[vector<16xi32>, vector<16xi32>], vector<16xf32>,
        %parallel_loop3A_148 = arith.constant 0 : i32
        %parallel_loop3A_149 = arith.index_cast %parallel_loop3A_148 : i32 to index
        %parallel_loop3A_150 = arith.index_cast %parallel_loop3A_142 : i32 to index
        %parallel_loop3A_151 = tpu.vector_load %arg9[%parallel_loop3A_149, %parallel_loop3A_150] {strides = array<i32>} : memref<8x2048xf32, #tpu.memory_space<vmem>>, vector<16xf32>,
        tpu.vector_store %arg9[%parallel_loop3A_149, %parallel_loop3A_150], %parallel_loop3A_147 {strides = array<i32>} : memref<8x2048xf32, #tpu.memory_space<vmem>>, vector<16xf32>,
        %parallel_loop3A_152 = arith.constant 1 : i32
        %parallel_loop3A_153 = vector.broadcast %parallel_loop3A_152 : i32 to vector<16xi32>
        %parallel_loop3A_154 = tpu.vector_load_idx %arg6[%parallel_loop3A_153, %parallel_loop3A_144] : memref<8x2048xf32, #tpu.memory_space<vmem>>[vector<16xi32>, vector<16xi32>], vector<16xf32>,
        %parallel_loop3A_155 = arith.constant 1 : i32
        %parallel_loop3A_156 = arith.index_cast %parallel_loop3A_155 : i32 to index
        %parallel_loop3A_157 = arith.index_cast %parallel_loop3A_142 : i32 to index
        %parallel_loop3A_158 = tpu.vector_load %arg9[%parallel_loop3A_156, %parallel_loop3A_157] {strides = array<i32>} : memref<8x2048xf32, #tpu.memory_space<vmem>>, vector<16xf32>,
        tpu.vector_store %arg9[%parallel_loop3A_156, %parallel_loop3A_157], %parallel_loop3A_154 {strides = array<i32>} : memref<8x2048xf32, #tpu.memory_space<vmem>>, vector<16xf32>,
        %parallel_loop3A_159 = arith.constant 2 : i32
        %parallel_loop3A_160 = vector.broadcast %parallel_loop3A_159 : i32 to vector<16xi32>
        %parallel_loop3A_161 = tpu.vector_load_idx %arg6[%parallel_loop3A_160, %parallel_loop3A_144] : memref<8x2048xf32, #tpu.memory_space<vmem>>[vector<16xi32>, vector<16xi32>], vector<16xf32>,
        %parallel_loop3A_162 = arith.constant 2 : i32
        %parallel_loop3A_163 = arith.index_cast %parallel_loop3A_162 : i32 to index
        %parallel_loop3A_164 = arith.index_cast %parallel_loop3A_142 : i32 to index
        %parallel_loop3A_165 = tpu.vector_load %arg9[%parallel_loop3A_163, %parallel_loop3A_164] {strides = array<i32>} : memref<8x2048xf32, #tpu.memory_space<vmem>>, vector<16xf32>,
        tpu.vector_store %arg9[%parallel_loop3A_163, %parallel_loop3A_164], %parallel_loop3A_161 {strides = array<i32>} : memref<8x2048xf32, #tpu.memory_space<vmem>>, vector<16xf32>,
        %parallel_loop3A_166 = arith.constant 3 : i32
        %parallel_loop3A_167 = vector.broadcast %parallel_loop3A_166 : i32 to vector<16xi32>
        %parallel_loop3A_168 = tpu.vector_load_idx %arg6[%parallel_loop3A_167, %parallel_loop3A_144] : memref<8x2048xf32, #tpu.memory_space<vmem>>[vector<16xi32>, vector<16xi32>], vector<16xf32>,
        %parallel_loop3A_169 = arith.constant 3 : i32
        %parallel_loop3A_170 = arith.index_cast %parallel_loop3A_169 : i32 to index
        %parallel_loop3A_171 = arith.index_cast %parallel_loop3A_142 : i32 to index
        %parallel_loop3A_172 = tpu.vector_load %arg9[%parallel_loop3A_170, %parallel_loop3A_171] {strides = array<i32>} : memref<8x2048xf32, #tpu.memory_space<vmem>>, vector<16xf32>,
        tpu.vector_store %arg9[%parallel_loop3A_170, %parallel_loop3A_171], %parallel_loop3A_168 {strides = array<i32>} : memref<8x2048xf32, #tpu.memory_space<vmem>>, vector<16xf32>,
        %parallel_loop3A_173 = arith.constant 4 : i32
        %parallel_loop3A_174 = vector.broadcast %parallel_loop3A_173 : i32 to vector<16xi32>
        %parallel_loop3A_175 = tpu.vector_load_idx %arg6[%parallel_loop3A_174, %parallel_loop3A_144] : memref<8x2048xf32, #tpu.memory_space<vmem>>[vector<16xi32>, vector<16xi32>], vector<16xf32>,
        %parallel_loop3A_176 = arith.constant 4 : i32
        %parallel_loop3A_177 = arith.index_cast %parallel_loop3A_176 : i32 to index
        %parallel_loop3A_178 = arith.index_cast %parallel_loop3A_142 : i32 to index
        %parallel_loop3A_179 = tpu.vector_load %arg9[%parallel_loop3A_177, %parallel_loop3A_178] {strides = array<i32>} : memref<8x2048xf32, #tpu.memory_space<vmem>>, vector<16xf32>,
        tpu.vector_store %arg9[%parallel_loop3A_177, %parallel_loop3A_178], %parallel_loop3A_175 {strides = array<i32>} : memref<8x2048xf32, #tpu.memory_space<vmem>>, vector<16xf32>,
        %parallel_loop3A_180 = arith.constant 5 : i32
        %parallel_loop3A_181 = vector.broadcast %parallel_loop3A_180 : i32 to vector<16xi32>
        %parallel_loop3A_182 = tpu.vector_load_idx %arg6[%parallel_loop3A_181, %parallel_loop3A_144] : memref<8x2048xf32, #tpu.memory_space<vmem>>[vector<16xi32>, vector<16xi32>], vector<16xf32>,
        %parallel_loop3A_183 = arith.constant 5 : i32
        %parallel_loop3A_184 = arith.index_cast %parallel_loop3A_183 : i32 to index
        %parallel_loop3A_185 = arith.index_cast %parallel_loop3A_142 : i32 to index
        %parallel_loop3A_186 = tpu.vector_load %arg9[%parallel_loop3A_184, %parallel_loop3A_185] {strides = array<i32>} : memref<8x2048xf32, #tpu.memory_space<vmem>>, vector<16xf32>,
        tpu.vector_store %arg9[%parallel_loop3A_184, %parallel_loop3A_185], %parallel_loop3A_182 {strides = array<i32>} : memref<8x2048xf32, #tpu.memory_space<vmem>>, vector<16xf32>,
        %parallel_loop3A_187 = arith.constant 6 : i32
        %parallel_loop3A_188 = vector.broadcast %parallel_loop3A_187 : i32 to vector<16xi32>
        %parallel_loop3A_189 = tpu.vector_load_idx %arg6[%parallel_loop3A_188, %parallel_loop3A_144] : memref<8x2048xf32, #tpu.memory_space<vmem>>[vector<16xi32>, vector<16xi32>], vector<16xf32>,
        %parallel_loop3A_190 = arith.constant 6 : i32
        %parallel_loop3A_191 = arith.index_cast %parallel_loop3A_190 : i32 to index
        %parallel_loop3A_192 = arith.index_cast %parallel_loop3A_142 : i32 to index
        %parallel_loop3A_193 = tpu.vector_load %arg9[%parallel_loop3A_191, %parallel_loop3A_192] {strides = array<i32>} : memref<8x2048xf32, #tpu.memory_space<vmem>>, vector<16xf32>,
        tpu.vector_store %arg9[%parallel_loop3A_191, %parallel_loop3A_192], %parallel_loop3A_189 {strides = array<i32>} : memref<8x2048xf32, #tpu.memory_space<vmem>>, vector<16xf32>,
        %parallel_loop3A_194 = arith.constant 7 : i32
        %parallel_loop3A_195 = vector.broadcast %parallel_loop3A_194 : i32 to vector<16xi32>
        %parallel_loop3A_196 = tpu.vector_load_idx %arg6[%parallel_loop3A_195, %parallel_loop3A_144] : memref<8x2048xf32, #tpu.memory_space<vmem>>[vector<16xi32>, vector<16xi32>], vector<16xf32>,
        %parallel_loop3A_197 = arith.constant 7 : i32
        %parallel_loop3A_198 = arith.index_cast %parallel_loop3A_197 : i32 to index
        %parallel_loop3A_199 = arith.index_cast %parallel_loop3A_142 : i32 to index
        %parallel_loop3A_200 = tpu.vector_load %arg9[%parallel_loop3A_198, %parallel_loop3A_199] {strides = array<i32>} : memref<8x2048xf32, #tpu.memory_space<vmem>>, vector<16xf32>,
        tpu.vector_store %arg9[%parallel_loop3A_198, %parallel_loop3A_199], %parallel_loop3A_196 {strides = array<i32>} : memref<8x2048xf32, #tpu.memory_space<vmem>>, vector<16xf32>,
      } {sc.loop_unroll_factor = 8 : i64, sc.parallel_access}
      %mul3A_66 = arith.constant 8 : i32
      %mul3A_67 = arith.muli %add3A_56, %mul3A_66 : i32
      %add3A_68 = arith.addi %mul3A_2, %mul3A_67 : i32
      %dma_start3A_69 = arith.constant 0 : i32
      %dma_start3A_70 = tpu.memref_slice %arg4[%add3A_68, %dma_start3A_69] : memref<16384x2048xf32, #tpu.memory_space<hbm>> -> memref<8x2048xf32, #tpu.memory_space<hbm>>
      %dma_start3A_71 = arith.constant 0 : i32
      %dma_start3A_72 = tpu.memref_slice %arg4[%add3A_68, %dma_start3A_71] : memref<16384x2048xf32, #tpu.memory_space<hbm>> -> memref<8x2048xf32, #tpu.memory_space<hbm>>
      tpu.enqueue_dma source(%arg9 : memref<8x2048xf32, #tpu.memory_space<vmem>>) target(%dma_start3A_72 : memref<8x2048xf32, #tpu.memory_space<hbm>>) target_semaphore(%arg15 : memref<!tpu.dma_semaphore, #tpu.memory_space<semaphore_mem>>)
      %add3A_73 = arith.constant 3 : i32
      %add3A_74 = arith.addi %add3A_56, %add3A_73 : i32
      %lt3A = arith.constant 64 : i32
      %lt3A_75 = arith.cmpi slt, %add3A_74, %lt3A : i32
      %convert_element_type3A_76 = arith.extui %lt3A_75 : i1 to i32
      %cond3A_77 = arith.constant 0 : i32
      %cond3A_78 = arith.cmpi ne, %convert_element_type3A_76, %cond3A_77 : i32
      scf.if %cond3A_78 {
        %add3A_139 = arith.constant 3 : i32
        %add3A_140 = arith.addi %add3A_56, %add3A_139 : i32
        %mul3A_141 = arith.constant 8 : i32
        %mul3A_142 = arith.muli %add3A_140, %mul3A_141 : i32
        %add3A_143 = arith.addi %mul3A_2, %mul3A_142 : i32
        %dma_start3A_144 = arith.constant 0 : i32
        %dma_start3A_145 = tpu.memref_slice %arg2[%add3A_143, %dma_start3A_144] : memref<16384x2048xf32, #tpu.memory_space<hbm>> -> memref<8x2048xf32, #tpu.memory_space<hbm>>
        %dma_start3A_146 = arith.constant 0 : i32
        %dma_start3A_147 = tpu.memref_slice %arg2[%add3A_143, %dma_start3A_146] : memref<16384x2048xf32, #tpu.memory_space<hbm>> -> memref<8x2048xf32, #tpu.memory_space<hbm>>
        tpu.enqueue_dma source(%dma_start3A_147 : memref<8x2048xf32, #tpu.memory_space<hbm>>) target(%arg6 : memref<8x2048xf32, #tpu.memory_space<vmem>>) target_semaphore(%arg12 : memref<!tpu.dma_semaphore, #tpu.memory_space<semaphore_mem>>)
      } else {
      }
      %mul3A_79 = arith.constant 3 : i32
      %mul3A_80 = arith.muli %mul3A_79, %scan3A_52 : i32
      %add3A_81 = arith.constant 1 : i32
      %add3A_82 = arith.addi %mul3A_80, %add3A_81 : i32
      %ge3A_83 = arith.constant 3 : i32
      %ge3A_84 = arith.cmpi sge, %add3A_82, %ge3A_83 : i32
      %convert_element_type3A_85 = arith.extui %ge3A_84 : i1 to i32
      %cond3A_86 = arith.constant 0 : i32
      %cond3A_87 = arith.cmpi ne, %convert_element_type3A_85, %cond3A_86 : i32
      scf.if %cond3A_87 {
        %dma_wait3A_139 = arith.constant 0 : i32
        %dma_wait3A_140 = tpu.memref_slice %arg4[%mul3A_2, %dma_wait3A_139] : memref<16384x2048xf32, #tpu.memory_space<hbm>> -> memref<8x2048xf32, #tpu.memory_space<hbm>>
        %dma_wait3A_141 = arith.constant 0 : i32
        %dma_wait3A_142 = tpu.memref_slice %arg4[%mul3A_2, %dma_wait3A_141] : memref<16384x2048xf32, #tpu.memory_space<hbm>> -> memref<8x2048xf32, #tpu.memory_space<hbm>>
        tpu.wait_dma2 semaphore(%arg16 : memref<!tpu.dma_semaphore, #tpu.memory_space<semaphore_mem>>) src(%arg10 : memref<8x2048xf32, #tpu.memory_space<vmem>>) dst(%dma_wait3A_142 : memref<8x2048xf32, #tpu.memory_space<hbm>>)
      } else {
      }
      %dma_wait3A_88 = arith.constant 0 : i32
      %dma_wait3A_89 = tpu.memref_slice %arg2[%mul3A_2, %dma_wait3A_88] : memref<16384x2048xf32, #tpu.memory_space<hbm>> -> memref<8x2048xf32, #tpu.memory_space<hbm>>
      %dma_wait3A_90 = arith.constant 0 : i32
      %dma_wait3A_91 = tpu.memref_slice %arg2[%mul3A_2, %dma_wait3A_90] : memref<16384x2048xf32, #tpu.memory_space<hbm>> -> memref<8x2048xf32, #tpu.memory_space<hbm>>
      tpu.wait_dma2 semaphore(%arg13 : memref<!tpu.dma_semaphore, #tpu.memory_space<semaphore_mem>>) src(%dma_wait3A_91 : memref<8x2048xf32, #tpu.memory_space<hbm>>) dst(%arg7 : memref<8x2048xf32, #tpu.memory_space<vmem>>)
      %parallel_loop3A_92 = arith.constant 0 : i32
      %parallel_loop3A_93 = arith.constant 128 : i32
      %parallel_loop3A_94 = arith.constant 1 : i32
      scf.for %parallel_loop3A_139 = %parallel_loop3A_92 to %parallel_loop3A_93 step %parallel_loop3A_94  : i32 {
        %parallel_loop3A_140 = arith.constant 16 : i32
        %parallel_loop3A_141 = arith.muli %parallel_loop3A_139, %parallel_loop3A_140 : i32
        %parallel_loop3A_142 = tpu.assume_multiple %parallel_loop3A_141, 16 : i32
        %parallel_loop3A_143 = arith.index_cast %parallel_loop3A_142 : i32 to index
        %parallel_loop3A_144 = tpu.vector_load %arg5[%parallel_loop3A_143] {strides = array<i32>} : memref<2048xi32, #tpu.memory_space<vmem>>, vector<16xi32>,
        %parallel_loop3A_145 = arith.constant 0 : i32
        %parallel_loop3A_146 = vector.broadcast %parallel_loop3A_145 : i32 to vector<16xi32>
        %parallel_loop3A_147 = tpu.vector_load_idx %arg7[%parallel_loop3A_146, %parallel_loop3A_144] : memref<8x2048xf32, #tpu.memory_space<vmem>>[vector<16xi32>, vector<16xi32>], vector<16xf32>,
        %parallel_loop3A_148 = arith.constant 0 : i32
        %parallel_loop3A_149 = arith.index_cast %parallel_loop3A_148 : i32 to index
        %parallel_loop3A_150 = arith.index_cast %parallel_loop3A_142 : i32 to index
        %parallel_loop3A_151 = tpu.vector_load %arg10[%parallel_loop3A_149, %parallel_loop3A_150] {strides = array<i32>} : memref<8x2048xf32, #tpu.memory_space<vmem>>, vector<16xf32>,
        tpu.vector_store %arg10[%parallel_loop3A_149, %parallel_loop3A_150], %parallel_loop3A_147 {strides = array<i32>} : memref<8x2048xf32, #tpu.memory_space<vmem>>, vector<16xf32>,
        %parallel_loop3A_152 = arith.constant 1 : i32
        %parallel_loop3A_153 = vector.broadcast %parallel_loop3A_152 : i32 to vector<16xi32>
        %parallel_loop3A_154 = tpu.vector_load_idx %arg7[%parallel_loop3A_153, %parallel_loop3A_144] : memref<8x2048xf32, #tpu.memory_space<vmem>>[vector<16xi32>, vector<16xi32>], vector<16xf32>,
        %parallel_loop3A_155 = arith.constant 1 : i32
        %parallel_loop3A_156 = arith.index_cast %parallel_loop3A_155 : i32 to index
        %parallel_loop3A_157 = arith.index_cast %parallel_loop3A_142 : i32 to index
        %parallel_loop3A_158 = tpu.vector_load %arg10[%parallel_loop3A_156, %parallel_loop3A_157] {strides = array<i32>} : memref<8x2048xf32, #tpu.memory_space<vmem>>, vector<16xf32>,
        tpu.vector_store %arg10[%parallel_loop3A_156, %parallel_loop3A_157], %parallel_loop3A_154 {strides = array<i32>} : memref<8x2048xf32, #tpu.memory_space<vmem>>, vector<16xf32>,
        %parallel_loop3A_159 = arith.constant 2 : i32
        %parallel_loop3A_160 = vector.broadcast %parallel_loop3A_159 : i32 to vector<16xi32>
        %parallel_loop3A_161 = tpu.vector_load_idx %arg7[%parallel_loop3A_160, %parallel_loop3A_144] : memref<8x2048xf32, #tpu.memory_space<vmem>>[vector<16xi32>, vector<16xi32>], vector<16xf32>,
        %parallel_loop3A_162 = arith.constant 2 : i32
        %parallel_loop3A_163 = arith.index_cast %parallel_loop3A_162 : i32 to index
        %parallel_loop3A_164 = arith.index_cast %parallel_loop3A_142 : i32 to index
        %parallel_loop3A_165 = tpu.vector_load %arg10[%parallel_loop3A_163, %parallel_loop3A_164] {strides = array<i32>} : memref<8x2048xf32, #tpu.memory_space<vmem>>, vector<16xf32>,
        tpu.vector_store %arg10[%parallel_loop3A_163, %parallel_loop3A_164], %parallel_loop3A_161 {strides = array<i32>} : memref<8x2048xf32, #tpu.memory_space<vmem>>, vector<16xf32>,
        %parallel_loop3A_166 = arith.constant 3 : i32
        %parallel_loop3A_167 = vector.broadcast %parallel_loop3A_166 : i32 to vector<16xi32>
        %parallel_loop3A_168 = tpu.vector_load_idx %arg7[%parallel_loop3A_167, %parallel_loop3A_144] : memref<8x2048xf32, #tpu.memory_space<vmem>>[vector<16xi32>, vector<16xi32>], vector<16xf32>,
        %parallel_loop3A_169 = arith.constant 3 : i32
        %parallel_loop3A_170 = arith.index_cast %parallel_loop3A_169 : i32 to index
        %parallel_loop3A_171 = arith.index_cast %parallel_loop3A_142 : i32 to index
        %parallel_loop3A_172 = tpu.vector_load %arg10[%parallel_loop3A_170, %parallel_loop3A_171] {strides = array<i32>} : memref<8x2048xf32, #tpu.memory_space<vmem>>, vector<16xf32>,
        tpu.vector_store %arg10[%parallel_loop3A_170, %parallel_loop3A_171], %parallel_loop3A_168 {strides = array<i32>} : memref<8x2048xf32, #tpu.memory_space<vmem>>, vector<16xf32>,
        %parallel_loop3A_173 = arith.constant 4 : i32
        %parallel_loop3A_174 = vector.broadcast %parallel_loop3A_173 : i32 to vector<16xi32>
        %parallel_loop3A_175 = tpu.vector_load_idx %arg7[%parallel_loop3A_174, %parallel_loop3A_144] : memref<8x2048xf32, #tpu.memory_space<vmem>>[vector<16xi32>, vector<16xi32>], vector<16xf32>,
        %parallel_loop3A_176 = arith.constant 4 : i32
        %parallel_loop3A_177 = arith.index_cast %parallel_loop3A_176 : i32 to index
        %parallel_loop3A_178 = arith.index_cast %parallel_loop3A_142 : i32 to index
        %parallel_loop3A_179 = tpu.vector_load %arg10[%parallel_loop3A_177, %parallel_loop3A_178] {strides = array<i32>} : memref<8x2048xf32, #tpu.memory_space<vmem>>, vector<16xf32>,
        tpu.vector_store %arg10[%parallel_loop3A_177, %parallel_loop3A_178], %parallel_loop3A_175 {strides = array<i32>} : memref<8x2048xf32, #tpu.memory_space<vmem>>, vector<16xf32>,
        %parallel_loop3A_180 = arith.constant 5 : i32
        %parallel_loop3A_181 = vector.broadcast %parallel_loop3A_180 : i32 to vector<16xi32>
        %parallel_loop3A_182 = tpu.vector_load_idx %arg7[%parallel_loop3A_181, %parallel_loop3A_144] : memref<8x2048xf32, #tpu.memory_space<vmem>>[vector<16xi32>, vector<16xi32>], vector<16xf32>,
        %parallel_loop3A_183 = arith.constant 5 : i32
        %parallel_loop3A_184 = arith.index_cast %parallel_loop3A_183 : i32 to index
        %parallel_loop3A_185 = arith.index_cast %parallel_loop3A_142 : i32 to index
        %parallel_loop3A_186 = tpu.vector_load %arg10[%parallel_loop3A_184, %parallel_loop3A_185] {strides = array<i32>} : memref<8x2048xf32, #tpu.memory_space<vmem>>, vector<16xf32>,
        tpu.vector_store %arg10[%parallel_loop3A_184, %parallel_loop3A_185], %parallel_loop3A_182 {strides = array<i32>} : memref<8x2048xf32, #tpu.memory_space<vmem>>, vector<16xf32>,
        %parallel_loop3A_187 = arith.constant 6 : i32
        %parallel_loop3A_188 = vector.broadcast %parallel_loop3A_187 : i32 to vector<16xi32>
        %parallel_loop3A_189 = tpu.vector_load_idx %arg7[%parallel_loop3A_188, %parallel_loop3A_144] : memref<8x2048xf32, #tpu.memory_space<vmem>>[vector<16xi32>, vector<16xi32>], vector<16xf32>,
        %parallel_loop3A_190 = arith.constant 6 : i32
        %parallel_loop3A_191 = arith.index_cast %parallel_loop3A_190 : i32 to index
        %parallel_loop3A_192 = arith.index_cast %parallel_loop3A_142 : i32 to index
        %parallel_loop3A_193 = tpu.vector_load %arg10[%parallel_loop3A_191, %parallel_loop3A_192] {strides = array<i32>} : memref<8x2048xf32, #tpu.memory_space<vmem>>, vector<16xf32>,
        tpu.vector_store %arg10[%parallel_loop3A_191, %parallel_loop3A_192], %parallel_loop3A_189 {strides = array<i32>} : memref<8x2048xf32, #tpu.memory_space<vmem>>, vector<16xf32>,
        %parallel_loop3A_194 = arith.constant 7 : i32
        %parallel_loop3A_195 = vector.broadcast %parallel_loop3A_194 : i32 to vector<16xi32>
        %parallel_loop3A_196 = tpu.vector_load_idx %arg7[%parallel_loop3A_195, %parallel_loop3A_144] : memref<8x2048xf32, #tpu.memory_space<vmem>>[vector<16xi32>, vector<16xi32>], vector<16xf32>,
        %parallel_loop3A_197 = arith.constant 7 : i32
        %parallel_loop3A_198 = arith.index_cast %parallel_loop3A_197 : i32 to index
        %parallel_loop3A_199 = arith.index_cast %parallel_loop3A_142 : i32 to index
        %parallel_loop3A_200 = tpu.vector_load %arg10[%parallel_loop3A_198, %parallel_loop3A_199] {strides = array<i32>} : memref<8x2048xf32, #tpu.memory_space<vmem>>, vector<16xf32>,
        tpu.vector_store %arg10[%parallel_loop3A_198, %parallel_loop3A_199], %parallel_loop3A_196 {strides = array<i32>} : memref<8x2048xf32, #tpu.memory_space<vmem>>, vector<16xf32>,
      } {sc.loop_unroll_factor = 8 : i64, sc.parallel_access}
      %mul3A_95 = arith.constant 8 : i32
      %mul3A_96 = arith.muli %add3A_82, %mul3A_95 : i32
      %add3A_97 = arith.addi %mul3A_2, %mul3A_96 : i32
      %dma_start3A_98 = arith.constant 0 : i32
      %dma_start3A_99 = tpu.memref_slice %arg4[%add3A_97, %dma_start3A_98] : memref<16384x2048xf32, #tpu.memory_space<hbm>> -> memref<8x2048xf32, #tpu.memory_space<hbm>>
      %dma_start3A_100 = arith.constant 0 : i32
      %dma_start3A_101 = tpu.memref_slice %arg4[%add3A_97, %dma_start3A_100] : memref<16384x2048xf32, #tpu.memory_space<hbm>> -> memref<8x2048xf32, #tpu.memory_space<hbm>>
      tpu.enqueue_dma source(%arg10 : memref<8x2048xf32, #tpu.memory_space<vmem>>) target(%dma_start3A_101 : memref<8x2048xf32, #tpu.memory_space<hbm>>) target_semaphore(%arg16 : memref<!tpu.dma_semaphore, #tpu.memory_space<semaphore_mem>>)
      %add3A_102 = arith.constant 3 : i32
      %add3A_103 = arith.addi %add3A_82, %add3A_102 : i32
      %lt3A_104 = arith.constant 64 : i32
      %lt3A_105 = arith.cmpi slt, %add3A_103, %lt3A_104 : i32
      %convert_element_type3A_106 = arith.extui %lt3A_105 : i1 to i32
      %cond3A_107 = arith.constant 0 : i32
      %cond3A_108 = arith.cmpi ne, %convert_element_type3A_106, %cond3A_107 : i32
      scf.if %cond3A_108 {
        %add3A_139 = arith.constant 3 : i32
        %add3A_140 = arith.addi %add3A_82, %add3A_139 : i32
        %mul3A_141 = arith.constant 8 : i32
        %mul3A_142 = arith.muli %add3A_140, %mul3A_141 : i32
        %add3A_143 = arith.addi %mul3A_2, %mul3A_142 : i32
        %dma_start3A_144 = arith.constant 0 : i32
        %dma_start3A_145 = tpu.memref_slice %arg2[%add3A_143, %dma_start3A_144] : memref<16384x2048xf32, #tpu.memory_space<hbm>> -> memref<8x2048xf32, #tpu.memory_space<hbm>>
        %dma_start3A_146 = arith.constant 0 : i32
        %dma_start3A_147 = tpu.memref_slice %arg2[%add3A_143, %dma_start3A_146] : memref<16384x2048xf32, #tpu.memory_space<hbm>> -> memref<8x2048xf32, #tpu.memory_space<hbm>>
        tpu.enqueue_dma source(%dma_start3A_147 : memref<8x2048xf32, #tpu.memory_space<hbm>>) target(%arg7 : memref<8x2048xf32, #tpu.memory_space<vmem>>) target_semaphore(%arg13 : memref<!tpu.dma_semaphore, #tpu.memory_space<semaphore_mem>>)
      } else {
      }
      %mul3A_109 = arith.constant 3 : i32
      %mul3A_110 = arith.muli %mul3A_109, %scan3A_52 : i32
      %add3A_111 = arith.constant 2 : i32
      %add3A_112 = arith.addi %mul3A_110, %add3A_111 : i32
      %ge3A_113 = arith.constant 3 : i32
      %ge3A_114 = arith.cmpi sge, %add3A_112, %ge3A_113 : i32
      %convert_element_type3A_115 = arith.extui %ge3A_114 : i1 to i32
      %cond3A_116 = arith.constant 0 : i32
      %cond3A_117 = arith.cmpi ne, %convert_element_type3A_115, %cond3A_116 : i32
      scf.if %cond3A_117 {
        %dma_wait3A_139 = arith.constant 0 : i32
        %dma_wait3A_140 = tpu.memref_slice %arg4[%mul3A_2, %dma_wait3A_139] : memref<16384x2048xf32, #tpu.memory_space<hbm>> -> memref<8x2048xf32, #tpu.memory_space<hbm>>
        %dma_wait3A_141 = arith.constant 0 : i32
        %dma_wait3A_142 = tpu.memref_slice %arg4[%mul3A_2, %dma_wait3A_141] : memref<16384x2048xf32, #tpu.memory_space<hbm>> -> memref<8x2048xf32, #tpu.memory_space<hbm>>
        tpu.wait_dma2 semaphore(%arg17 : memref<!tpu.dma_semaphore, #tpu.memory_space<semaphore_mem>>) src(%arg11 : memref<8x2048xf32, #tpu.memory_space<vmem>>) dst(%dma_wait3A_142 : memref<8x2048xf32, #tpu.memory_space<hbm>>)
      } else {
      }
      %dma_wait3A_118 = arith.constant 0 : i32
      %dma_wait3A_119 = tpu.memref_slice %arg2[%mul3A_2, %dma_wait3A_118] : memref<16384x2048xf32, #tpu.memory_space<hbm>> -> memref<8x2048xf32, #tpu.memory_space<hbm>>
      %dma_wait3A_120 = arith.constant 0 : i32
      %dma_wait3A_121 = tpu.memref_slice %arg2[%mul3A_2, %dma_wait3A_120] : memref<16384x2048xf32, #tpu.memory_space<hbm>> -> memref<8x2048xf32, #tpu.memory_space<hbm>>
      tpu.wait_dma2 semaphore(%arg14 : memref<!tpu.dma_semaphore, #tpu.memory_space<semaphore_mem>>) src(%dma_wait3A_121 : memref<8x2048xf32, #tpu.memory_space<hbm>>) dst(%arg8 : memref<8x2048xf32, #tpu.memory_space<vmem>>)
      %parallel_loop3A_122 = arith.constant 0 : i32
      %parallel_loop3A_123 = arith.constant 128 : i32
      %parallel_loop3A_124 = arith.constant 1 : i32
      scf.for %parallel_loop3A_139 = %parallel_loop3A_122 to %parallel_loop3A_123 step %parallel_loop3A_124  : i32 {
        %parallel_loop3A_140 = arith.constant 16 : i32
        %parallel_loop3A_141 = arith.muli %parallel_loop3A_139, %parallel_loop3A_140 : i32
        %parallel_loop3A_142 = tpu.assume_multiple %parallel_loop3A_141, 16 : i32
        %parallel_loop3A_143 = arith.index_cast %parallel_loop3A_142 : i32 to index
        %parallel_loop3A_144 = tpu.vector_load %arg5[%parallel_loop3A_143] {strides = array<i32>} : memref<2048xi32, #tpu.memory_space<vmem>>, vector<16xi32>,
        %parallel_loop3A_145 = arith.constant 0 : i32
        %parallel_loop3A_146 = vector.broadcast %parallel_loop3A_145 : i32 to vector<16xi32>
        %parallel_loop3A_147 = tpu.vector_load_idx %arg8[%parallel_loop3A_146, %parallel_loop3A_144] : memref<8x2048xf32, #tpu.memory_space<vmem>>[vector<16xi32>, vector<16xi32>], vector<16xf32>,
        %parallel_loop3A_148 = arith.constant 0 : i32
        %parallel_loop3A_149 = arith.index_cast %parallel_loop3A_148 : i32 to index
        %parallel_loop3A_150 = arith.index_cast %parallel_loop3A_142 : i32 to index
        %parallel_loop3A_151 = tpu.vector_load %arg11[%parallel_loop3A_149, %parallel_loop3A_150] {strides = array<i32>} : memref<8x2048xf32, #tpu.memory_space<vmem>>, vector<16xf32>,
        tpu.vector_store %arg11[%parallel_loop3A_149, %parallel_loop3A_150], %parallel_loop3A_147 {strides = array<i32>} : memref<8x2048xf32, #tpu.memory_space<vmem>>, vector<16xf32>,
        %parallel_loop3A_152 = arith.constant 1 : i32
        %parallel_loop3A_153 = vector.broadcast %parallel_loop3A_152 : i32 to vector<16xi32>
        %parallel_loop3A_154 = tpu.vector_load_idx %arg8[%parallel_loop3A_153, %parallel_loop3A_144] : memref<8x2048xf32, #tpu.memory_space<vmem>>[vector<16xi32>, vector<16xi32>], vector<16xf32>,
        %parallel_loop3A_155 = arith.constant 1 : i32
        %parallel_loop3A_156 = arith.index_cast %parallel_loop3A_155 : i32 to index
        %parallel_loop3A_157 = arith.index_cast %parallel_loop3A_142 : i32 to index
        %parallel_loop3A_158 = tpu.vector_load %arg11[%parallel_loop3A_156, %parallel_loop3A_157] {strides = array<i32>} : memref<8x2048xf32, #tpu.memory_space<vmem>>, vector<16xf32>,
        tpu.vector_store %arg11[%parallel_loop3A_156, %parallel_loop3A_157], %parallel_loop3A_154 {strides = array<i32>} : memref<8x2048xf32, #tpu.memory_space<vmem>>, vector<16xf32>,
        %parallel_loop3A_159 = arith.constant 2 : i32
        %parallel_loop3A_160 = vector.broadcast %parallel_loop3A_159 : i32 to vector<16xi32>
        %parallel_loop3A_161 = tpu.vector_load_idx %arg8[%parallel_loop3A_160, %parallel_loop3A_144] : memref<8x2048xf32, #tpu.memory_space<vmem>>[vector<16xi32>, vector<16xi32>], vector<16xf32>,
        %parallel_loop3A_162 = arith.constant 2 : i32
        %parallel_loop3A_163 = arith.index_cast %parallel_loop3A_162 : i32 to index
        %parallel_loop3A_164 = arith.index_cast %parallel_loop3A_142 : i32 to index
        %parallel_loop3A_165 = tpu.vector_load %arg11[%parallel_loop3A_163, %parallel_loop3A_164] {strides = array<i32>} : memref<8x2048xf32, #tpu.memory_space<vmem>>, vector<16xf32>,
        tpu.vector_store %arg11[%parallel_loop3A_163, %parallel_loop3A_164], %parallel_loop3A_161 {strides = array<i32>} : memref<8x2048xf32, #tpu.memory_space<vmem>>, vector<16xf32>,
        %parallel_loop3A_166 = arith.constant 3 : i32
        %parallel_loop3A_167 = vector.broadcast %parallel_loop3A_166 : i32 to vector<16xi32>
        %parallel_loop3A_168 = tpu.vector_load_idx %arg8[%parallel_loop3A_167, %parallel_loop3A_144] : memref<8x2048xf32, #tpu.memory_space<vmem>>[vector<16xi32>, vector<16xi32>], vector<16xf32>,
        %parallel_loop3A_169 = arith.constant 3 : i32
        %parallel_loop3A_170 = arith.index_cast %parallel_loop3A_169 : i32 to index
        %parallel_loop3A_171 = arith.index_cast %parallel_loop3A_142 : i32 to index
        %parallel_loop3A_172 = tpu.vector_load %arg11[%parallel_loop3A_170, %parallel_loop3A_171] {strides = array<i32>} : memref<8x2048xf32, #tpu.memory_space<vmem>>, vector<16xf32>,
        tpu.vector_store %arg11[%parallel_loop3A_170, %parallel_loop3A_171], %parallel_loop3A_168 {strides = array<i32>} : memref<8x2048xf32, #tpu.memory_space<vmem>>, vector<16xf32>,
        %parallel_loop3A_173 = arith.constant 4 : i32
        %parallel_loop3A_174 = vector.broadcast %parallel_loop3A_173 : i32 to vector<16xi32>
        %parallel_loop3A_175 = tpu.vector_load_idx %arg8[%parallel_loop3A_174, %parallel_loop3A_144] : memref<8x2048xf32, #tpu.memory_space<vmem>>[vector<16xi32>, vector<16xi32>], vector<16xf32>,
        %parallel_loop3A_176 = arith.constant 4 : i32
        %parallel_loop3A_177 = arith.index_cast %parallel_loop3A_176 : i32 to index
        %parallel_loop3A_178 = arith.index_cast %parallel_loop3A_142 : i32 to index
        %parallel_loop3A_179 = tpu.vector_load %arg11[%parallel_loop3A_177, %parallel_loop3A_178] {strides = array<i32>} : memref<8x2048xf32, #tpu.memory_space<vmem>>, vector<16xf32>,
        tpu.vector_store %arg11[%parallel_loop3A_177, %parallel_loop3A_178], %parallel_loop3A_175 {strides = array<i32>} : memref<8x2048xf32, #tpu.memory_space<vmem>>, vector<16xf32>,
        %parallel_loop3A_180 = arith.constant 5 : i32
        %parallel_loop3A_181 = vector.broadcast %parallel_loop3A_180 : i32 to vector<16xi32>
        %parallel_loop3A_182 = tpu.vector_load_idx %arg8[%parallel_loop3A_181, %parallel_loop3A_144] : memref<8x2048xf32, #tpu.memory_space<vmem>>[vector<16xi32>, vector<16xi32>], vector<16xf32>,
        %parallel_loop3A_183 = arith.constant 5 : i32
        %parallel_loop3A_184 = arith.index_cast %parallel_loop3A_183 : i32 to index
        %parallel_loop3A_185 = arith.index_cast %parallel_loop3A_142 : i32 to index
        %parallel_loop3A_186 = tpu.vector_load %arg11[%parallel_loop3A_184, %parallel_loop3A_185] {strides = array<i32>} : memref<8x2048xf32, #tpu.memory_space<vmem>>, vector<16xf32>,
        tpu.vector_store %arg11[%parallel_loop3A_184, %parallel_loop3A_185], %parallel_loop3A_182 {strides = array<i32>} : memref<8x2048xf32, #tpu.memory_space<vmem>>, vector<16xf32>,
        %parallel_loop3A_187 = arith.constant 6 : i32
        %parallel_loop3A_188 = vector.broadcast %parallel_loop3A_187 : i32 to vector<16xi32>
        %parallel_loop3A_189 = tpu.vector_load_idx %arg8[%parallel_loop3A_188, %parallel_loop3A_144] : memref<8x2048xf32, #tpu.memory_space<vmem>>[vector<16xi32>, vector<16xi32>], vector<16xf32>,
        %parallel_loop3A_190 = arith.constant 6 : i32
        %parallel_loop3A_191 = arith.index_cast %parallel_loop3A_190 : i32 to index
        %parallel_loop3A_192 = arith.index_cast %parallel_loop3A_142 : i32 to index
        %parallel_loop3A_193 = tpu.vector_load %arg11[%parallel_loop3A_191, %parallel_loop3A_192] {strides = array<i32>} : memref<8x2048xf32, #tpu.memory_space<vmem>>, vector<16xf32>,
        tpu.vector_store %arg11[%parallel_loop3A_191, %parallel_loop3A_192], %parallel_loop3A_189 {strides = array<i32>} : memref<8x2048xf32, #tpu.memory_space<vmem>>, vector<16xf32>,
        %parallel_loop3A_194 = arith.constant 7 : i32
        %parallel_loop3A_195 = vector.broadcast %parallel_loop3A_194 : i32 to vector<16xi32>
        %parallel_loop3A_196 = tpu.vector_load_idx %arg8[%parallel_loop3A_195, %parallel_loop3A_144] : memref<8x2048xf32, #tpu.memory_space<vmem>>[vector<16xi32>, vector<16xi32>], vector<16xf32>,
        %parallel_loop3A_197 = arith.constant 7 : i32
        %parallel_loop3A_198 = arith.index_cast %parallel_loop3A_197 : i32 to index
        %parallel_loop3A_199 = arith.index_cast %parallel_loop3A_142 : i32 to index
        %parallel_loop3A_200 = tpu.vector_load %arg11[%parallel_loop3A_198, %parallel_loop3A_199] {strides = array<i32>} : memref<8x2048xf32, #tpu.memory_space<vmem>>, vector<16xf32>,
        tpu.vector_store %arg11[%parallel_loop3A_198, %parallel_loop3A_199], %parallel_loop3A_196 {strides = array<i32>} : memref<8x2048xf32, #tpu.memory_space<vmem>>, vector<16xf32>,
      } {sc.loop_unroll_factor = 8 : i64, sc.parallel_access}
      %mul3A_125 = arith.constant 8 : i32
      %mul3A_126 = arith.muli %add3A_112, %mul3A_125 : i32
      %add3A_127 = arith.addi %mul3A_2, %mul3A_126 : i32
      %dma_start3A_128 = arith.constant 0 : i32
      %dma_start3A_129 = tpu.memref_slice %arg4[%add3A_127, %dma_start3A_128] : memref<16384x2048xf32, #tpu.memory_space<hbm>> -> memref<8x2048xf32, #tpu.memory_space<hbm>>
      %dma_start3A_130 = arith.constant 0 : i32
      %dma_start3A_131 = tpu.memref_slice %arg4[%add3A_127, %dma_start3A_130] : memref<16384x2048xf32, #tpu.memory_space<hbm>> -> memref<8x2048xf32, #tpu.memory_space<hbm>>
      tpu.enqueue_dma source(%arg11 : memref<8x2048xf32, #tpu.memory_space<vmem>>) target(%dma_start3A_131 : memref<8x2048xf32, #tpu.memory_space<hbm>>) target_semaphore(%arg17 : memref<!tpu.dma_semaphore, #tpu.memory_space<semaphore_mem>>)
      %add3A_132 = arith.constant 3 : i32
      %add3A_133 = arith.addi %add3A_112, %add3A_132 : i32
      %lt3A_134 = arith.constant 64 : i32
      %lt3A_135 = arith.cmpi slt, %add3A_133, %lt3A_134 : i32
      %convert_element_type3A_136 = arith.extui %lt3A_135 : i1 to i32
      %cond3A_137 = arith.constant 0 : i32
      %cond3A_138 = arith.cmpi ne, %convert_element_type3A_136, %cond3A_137 : i32
      scf.if %cond3A_138 {
        %add3A_139 = arith.constant 3 : i32
        %add3A_140 = arith.addi %add3A_112, %add3A_139 : i32
        %mul3A_141 = arith.constant 8 : i32
        %mul3A_142 = arith.muli %add3A_140, %mul3A_141 : i32
        %add3A_143 = arith.addi %mul3A_2, %mul3A_142 : i32
        %dma_start3A_144 = arith.constant 0 : i32
        %dma_start3A_145 = tpu.memref_slice %arg2[%add3A_143, %dma_start3A_144] : memref<16384x2048xf32, #tpu.memory_space<hbm>> -> memref<8x2048xf32, #tpu.memory_space<hbm>>
        %dma_start3A_146 = arith.constant 0 : i32
        %dma_start3A_147 = tpu.memref_slice %arg2[%add3A_143, %dma_start3A_146] : memref<16384x2048xf32, #tpu.memory_space<hbm>> -> memref<8x2048xf32, #tpu.memory_space<hbm>>
        tpu.enqueue_dma source(%dma_start3A_147 : memref<8x2048xf32, #tpu.memory_space<hbm>>) target(%arg8 : memref<8x2048xf32, #tpu.memory_space<vmem>>) target_semaphore(%arg14 : memref<!tpu.dma_semaphore, #tpu.memory_space<semaphore_mem>>)
      } else {
      }
    }
    %scan3A_24 = arith.constant 21 : i32
    %dma_wait3A = arith.constant 0 : i32
    %dma_wait3A_25 = tpu.memref_slice %arg4[%mul3A_2, %dma_wait3A] : memref<16384x2048xf32, #tpu.memory_space<hbm>> -> memref<8x2048xf32, #tpu.memory_space<hbm>>
    %dma_wait3A_26 = arith.constant 0 : i32
    %dma_wait3A_27 = tpu.memref_slice %arg4[%mul3A_2, %dma_wait3A_26] : memref<16384x2048xf32, #tpu.memory_space<hbm>> -> memref<8x2048xf32, #tpu.memory_space<hbm>>
    tpu.wait_dma2 semaphore(%arg15 : memref<!tpu.dma_semaphore, #tpu.memory_space<semaphore_mem>>) src(%arg9 : memref<8x2048xf32, #tpu.memory_space<vmem>>) dst(%dma_wait3A_27 : memref<8x2048xf32, #tpu.memory_space<hbm>>)
    %dma_wait3A_28 = arith.constant 0 : i32
    %dma_wait3A_29 = tpu.memref_slice %arg2[%mul3A_2, %dma_wait3A_28] : memref<16384x2048xf32, #tpu.memory_space<hbm>> -> memref<8x2048xf32, #tpu.memory_space<hbm>>
    %dma_wait3A_30 = arith.constant 0 : i32
    %dma_wait3A_31 = tpu.memref_slice %arg2[%mul3A_2, %dma_wait3A_30] : memref<16384x2048xf32, #tpu.memory_space<hbm>> -> memref<8x2048xf32, #tpu.memory_space<hbm>>
    tpu.wait_dma2 semaphore(%arg12 : memref<!tpu.dma_semaphore, #tpu.memory_space<semaphore_mem>>) src(%dma_wait3A_31 : memref<8x2048xf32, #tpu.memory_space<hbm>>) dst(%arg6 : memref<8x2048xf32, #tpu.memory_space<vmem>>)
    %parallel_loop3A = arith.constant 0 : i32
    %parallel_loop3A_32 = arith.constant 128 : i32
    %parallel_loop3A_33 = arith.constant 1 : i32
    scf.for %parallel_loop3A_52 = %parallel_loop3A to %parallel_loop3A_32 step %parallel_loop3A_33  : i32 {
      %parallel_loop3A_53 = arith.constant 16 : i32
      %parallel_loop3A_54 = arith.muli %parallel_loop3A_52, %parallel_loop3A_53 : i32
      %parallel_loop3A_55 = tpu.assume_multiple %parallel_loop3A_54, 16 : i32
      %parallel_loop3A_56 = arith.index_cast %parallel_loop3A_55 : i32 to index
      %parallel_loop3A_57 = tpu.vector_load %arg5[%parallel_loop3A_56] {strides = array<i32>} : memref<2048xi32, #tpu.memory_space<vmem>>, vector<16xi32>,
      %parallel_loop3A_58 = arith.constant 0 : i32
      %parallel_loop3A_59 = vector.broadcast %parallel_loop3A_58 : i32 to vector<16xi32>
      %parallel_loop3A_60 = tpu.vector_load_idx %arg6[%parallel_loop3A_59, %parallel_loop3A_57] : memref<8x2048xf32, #tpu.memory_space<vmem>>[vector<16xi32>, vector<16xi32>], vector<16xf32>,
      %parallel_loop3A_61 = arith.constant 0 : i32
      %parallel_loop3A_62 = arith.index_cast %parallel_loop3A_61 : i32 to index
      %parallel_loop3A_63 = arith.index_cast %parallel_loop3A_55 : i32 to index
      %parallel_loop3A_64 = tpu.vector_load %arg9[%parallel_loop3A_62, %parallel_loop3A_63] {strides = array<i32>} : memref<8x2048xf32, #tpu.memory_space<vmem>>, vector<16xf32>,
      tpu.vector_store %arg9[%parallel_loop3A_62, %parallel_loop3A_63], %parallel_loop3A_60 {strides = array<i32>} : memref<8x2048xf32, #tpu.memory_space<vmem>>, vector<16xf32>,
      %parallel_loop3A_65 = arith.constant 1 : i32
      %parallel_loop3A_66 = vector.broadcast %parallel_loop3A_65 : i32 to vector<16xi32>
      %parallel_loop3A_67 = tpu.vector_load_idx %arg6[%parallel_loop3A_66, %parallel_loop3A_57] : memref<8x2048xf32, #tpu.memory_space<vmem>>[vector<16xi32>, vector<16xi32>], vector<16xf32>,
      %parallel_loop3A_68 = arith.constant 1 : i32
      %parallel_loop3A_69 = arith.index_cast %parallel_loop3A_68 : i32 to index
      %parallel_loop3A_70 = arith.index_cast %parallel_loop3A_55 : i32 to index
      %parallel_loop3A_71 = tpu.vector_load %arg9[%parallel_loop3A_69, %parallel_loop3A_70] {strides = array<i32>} : memref<8x2048xf32, #tpu.memory_space<vmem>>, vector<16xf32>,
      tpu.vector_store %arg9[%parallel_loop3A_69, %parallel_loop3A_70], %parallel_loop3A_67 {strides = array<i32>} : memref<8x2048xf32, #tpu.memory_space<vmem>>, vector<16xf32>,
      %parallel_loop3A_72 = arith.constant 2 : i32
      %parallel_loop3A_73 = vector.broadcast %parallel_loop3A_72 : i32 to vector<16xi32>
      %parallel_loop3A_74 = tpu.vector_load_idx %arg6[%parallel_loop3A_73, %parallel_loop3A_57] : memref<8x2048xf32, #tpu.memory_space<vmem>>[vector<16xi32>, vector<16xi32>], vector<16xf32>,
      %parallel_loop3A_75 = arith.constant 2 : i32
      %parallel_loop3A_76 = arith.index_cast %parallel_loop3A_75 : i32 to index
      %parallel_loop3A_77 = arith.index_cast %parallel_loop3A_55 : i32 to index
      %parallel_loop3A_78 = tpu.vector_load %arg9[%parallel_loop3A_76, %parallel_loop3A_77] {strides = array<i32>} : memref<8x2048xf32, #tpu.memory_space<vmem>>, vector<16xf32>,
      tpu.vector_store %arg9[%parallel_loop3A_76, %parallel_loop3A_77], %parallel_loop3A_74 {strides = array<i32>} : memref<8x2048xf32, #tpu.memory_space<vmem>>, vector<16xf32>,
      %parallel_loop3A_79 = arith.constant 3 : i32
      %parallel_loop3A_80 = vector.broadcast %parallel_loop3A_79 : i32 to vector<16xi32>
      %parallel_loop3A_81 = tpu.vector_load_idx %arg6[%parallel_loop3A_80, %parallel_loop3A_57] : memref<8x2048xf32, #tpu.memory_space<vmem>>[vector<16xi32>, vector<16xi32>], vector<16xf32>,
      %parallel_loop3A_82 = arith.constant 3 : i32
      %parallel_loop3A_83 = arith.index_cast %parallel_loop3A_82 : i32 to index
      %parallel_loop3A_84 = arith.index_cast %parallel_loop3A_55 : i32 to index
      %parallel_loop3A_85 = tpu.vector_load %arg9[%parallel_loop3A_83, %parallel_loop3A_84] {strides = array<i32>} : memref<8x2048xf32, #tpu.memory_space<vmem>>, vector<16xf32>,
      tpu.vector_store %arg9[%parallel_loop3A_83, %parallel_loop3A_84], %parallel_loop3A_81 {strides = array<i32>} : memref<8x2048xf32, #tpu.memory_space<vmem>>, vector<16xf32>,
      %parallel_loop3A_86 = arith.constant 4 : i32
      %parallel_loop3A_87 = vector.broadcast %parallel_loop3A_86 : i32 to vector<16xi32>
      %parallel_loop3A_88 = tpu.vector_load_idx %arg6[%parallel_loop3A_87, %parallel_loop3A_57] : memref<8x2048xf32, #tpu.memory_space<vmem>>[vector<16xi32>, vector<16xi32>], vector<16xf32>,
      %parallel_loop3A_89 = arith.constant 4 : i32
      %parallel_loop3A_90 = arith.index_cast %parallel_loop3A_89 : i32 to index
      %parallel_loop3A_91 = arith.index_cast %parallel_loop3A_55 : i32 to index
      %parallel_loop3A_92 = tpu.vector_load %arg9[%parallel_loop3A_90, %parallel_loop3A_91] {strides = array<i32>} : memref<8x2048xf32, #tpu.memory_space<vmem>>, vector<16xf32>,
      tpu.vector_store %arg9[%parallel_loop3A_90, %parallel_loop3A_91], %parallel_loop3A_88 {strides = array<i32>} : memref<8x2048xf32, #tpu.memory_space<vmem>>, vector<16xf32>,
      %parallel_loop3A_93 = arith.constant 5 : i32
      %parallel_loop3A_94 = vector.broadcast %parallel_loop3A_93 : i32 to vector<16xi32>
      %parallel_loop3A_95 = tpu.vector_load_idx %arg6[%parallel_loop3A_94, %parallel_loop3A_57] : memref<8x2048xf32, #tpu.memory_space<vmem>>[vector<16xi32>, vector<16xi32>], vector<16xf32>,
      %parallel_loop3A_96 = arith.constant 5 : i32
      %parallel_loop3A_97 = arith.index_cast %parallel_loop3A_96 : i32 to index
      %parallel_loop3A_98 = arith.index_cast %parallel_loop3A_55 : i32 to index
      %parallel_loop3A_99 = tpu.vector_load %arg9[%parallel_loop3A_97, %parallel_loop3A_98] {strides = array<i32>} : memref<8x2048xf32, #tpu.memory_space<vmem>>, vector<16xf32>,
      tpu.vector_store %arg9[%parallel_loop3A_97, %parallel_loop3A_98], %parallel_loop3A_95 {strides = array<i32>} : memref<8x2048xf32, #tpu.memory_space<vmem>>, vector<16xf32>,
      %parallel_loop3A_100 = arith.constant 6 : i32
      %parallel_loop3A_101 = vector.broadcast %parallel_loop3A_100 : i32 to vector<16xi32>
      %parallel_loop3A_102 = tpu.vector_load_idx %arg6[%parallel_loop3A_101, %parallel_loop3A_57] : memref<8x2048xf32, #tpu.memory_space<vmem>>[vector<16xi32>, vector<16xi32>], vector<16xf32>,
      %parallel_loop3A_103 = arith.constant 6 : i32
      %parallel_loop3A_104 = arith.index_cast %parallel_loop3A_103 : i32 to index
      %parallel_loop3A_105 = arith.index_cast %parallel_loop3A_55 : i32 to index
      %parallel_loop3A_106 = tpu.vector_load %arg9[%parallel_loop3A_104, %parallel_loop3A_105] {strides = array<i32>} : memref<8x2048xf32, #tpu.memory_space<vmem>>, vector<16xf32>,
      tpu.vector_store %arg9[%parallel_loop3A_104, %parallel_loop3A_105], %parallel_loop3A_102 {strides = array<i32>} : memref<8x2048xf32, #tpu.memory_space<vmem>>, vector<16xf32>,
      %parallel_loop3A_107 = arith.constant 7 : i32
      %parallel_loop3A_108 = vector.broadcast %parallel_loop3A_107 : i32 to vector<16xi32>
      %parallel_loop3A_109 = tpu.vector_load_idx %arg6[%parallel_loop3A_108, %parallel_loop3A_57] : memref<8x2048xf32, #tpu.memory_space<vmem>>[vector<16xi32>, vector<16xi32>], vector<16xf32>,
      %parallel_loop3A_110 = arith.constant 7 : i32
      %parallel_loop3A_111 = arith.index_cast %parallel_loop3A_110 : i32 to index
      %parallel_loop3A_112 = arith.index_cast %parallel_loop3A_55 : i32 to index
      %parallel_loop3A_113 = tpu.vector_load %arg9[%parallel_loop3A_111, %parallel_loop3A_112] {strides = array<i32>} : memref<8x2048xf32, #tpu.memory_space<vmem>>, vector<16xf32>,
      tpu.vector_store %arg9[%parallel_loop3A_111, %parallel_loop3A_112], %parallel_loop3A_109 {strides = array<i32>} : memref<8x2048xf32, #tpu.memory_space<vmem>>, vector<16xf32>,
    } {sc.loop_unroll_factor = 8 : i64, sc.parallel_access}
    %add3A_34 = arith.constant 504 : i32
    %add3A_35 = arith.addi %mul3A_2, %add3A_34 : i32
    %dma_start3A_36 = arith.constant 0 : i32
    %dma_start3A_37 = tpu.memref_slice %arg4[%add3A_35, %dma_start3A_36] : memref<16384x2048xf32, #tpu.memory_space<hbm>> -> memref<8x2048xf32, #tpu.memory_space<hbm>>
    %dma_start3A_38 = arith.constant 0 : i32
    %dma_start3A_39 = tpu.memref_slice %arg4[%add3A_35, %dma_start3A_38] : memref<16384x2048xf32, #tpu.memory_space<hbm>> -> memref<8x2048xf32, #tpu.memory_space<hbm>>
    tpu.enqueue_dma source(%arg9 : memref<8x2048xf32, #tpu.memory_space<vmem>>) target(%dma_start3A_39 : memref<8x2048xf32, #tpu.memory_space<hbm>>) target_semaphore(%arg15 : memref<!tpu.dma_semaphore, #tpu.memory_space<semaphore_mem>>)
    %dma_wait3A_40 = arith.constant 0 : i32
    %dma_wait3A_41 = tpu.memref_slice %arg4[%mul3A_2, %dma_wait3A_40] : memref<16384x2048xf32, #tpu.memory_space<hbm>> -> memref<8x2048xf32, #tpu.memory_space<hbm>>
    %dma_wait3A_42 = arith.constant 0 : i32
    %dma_wait3A_43 = tpu.memref_slice %arg4[%mul3A_2, %dma_wait3A_42] : memref<16384x2048xf32, #tpu.memory_space<hbm>> -> memref<8x2048xf32, #tpu.memory_space<hbm>>
    tpu.wait_dma2 semaphore(%arg15 : memref<!tpu.dma_semaphore, #tpu.memory_space<semaphore_mem>>) src(%arg9 : memref<8x2048xf32, #tpu.memory_space<vmem>>) dst(%dma_wait3A_43 : memref<8x2048xf32, #tpu.memory_space<hbm>>)
    %dma_wait3A_44 = arith.constant 0 : i32
    %dma_wait3A_45 = tpu.memref_slice %arg4[%mul3A_2, %dma_wait3A_44] : memref<16384x2048xf32, #tpu.memory_space<hbm>> -> memref<8x2048xf32, #tpu.memory_space<hbm>>
    %dma_wait3A_46 = arith.constant 0 : i32
    %dma_wait3A_47 = tpu.memref_slice %arg4[%mul3A_2, %dma_wait3A_46] : memref<16384x2048xf32, #tpu.memory_space<hbm>> -> memref<8x2048xf32, #tpu.memory_space<hbm>>
    tpu.wait_dma2 semaphore(%arg16 : memref<!tpu.dma_semaphore, #tpu.memory_space<semaphore_mem>>) src(%arg10 : memref<8x2048xf32, #tpu.memory_space<vmem>>) dst(%dma_wait3A_47 : memref<8x2048xf32, #tpu.memory_space<hbm>>)
    %dma_wait3A_48 = arith.constant 0 : i32
    %dma_wait3A_49 = tpu.memref_slice %arg4[%mul3A_2, %dma_wait3A_48] : memref<16384x2048xf32, #tpu.memory_space<hbm>> -> memref<8x2048xf32, #tpu.memory_space<hbm>>
    %dma_wait3A_50 = arith.constant 0 : i32
    %dma_wait3A_51 = tpu.memref_slice %arg4[%mul3A_2, %dma_wait3A_50] : memref<16384x2048xf32, #tpu.memory_space<hbm>> -> memref<8x2048xf32, #tpu.memory_space<hbm>>
    tpu.wait_dma2 semaphore(%arg17 : memref<!tpu.dma_semaphore, #tpu.memory_space<semaphore_mem>>) src(%arg11 : memref<8x2048xf32, #tpu.memory_space<vmem>>) dst(%dma_wait3A_51 : memref<8x2048xf32, #tpu.memory_space<hbm>>)
    return
  }
}

</mosaic_0001>

<sc_bundles>
// kernel: _permute.3.cloned.1.call-start
scs
__scs_entry_jumppad:
0x0: {  	(pc) =	sbr.rel $0x88, $3  }
0x1: {  	(tag) =	ssettag $0x0;
	lr =	simm.s32 $0x1  }
0x2: {  	[smem:$0x3F9F] =	sst lr;
	_ =	strace $0xD0000000  }
0x3: {  	_ = 	snop  }
0x4: {  	_ = 	snop  }
0x5: {  	_ = 	snop  }
0x6: {  	_ = 	snop  }
0x7: {  	_ = 	snop  }
__scs_overlays_trampoline_lowered:
0x8: {  	[smem:$0x3FAE] =	sst s0  }
0x9: {  	[smem:$0x3FAF] =	sst s1  }
0xa: {  	[smem:$0x3FB0] =	sst s2  }
0xb: {  	[smem:$0x3FB1] =	sst s3  }
0xc: {  	[smem:$0x3FB2] =	sst s4  }
0xd: {  	[smem:$0x3FB3] =	sst s5  }
0xe: {  	[smem:$0x3FB4] =	sst s6  }
0xf: {  	[smem:$0x3FB5] =	sst s7  }
0x10: {  	[smem:$0x3FB6] =	sst s8  }
0x11: {  	[smem:$0x3FB7] =	sst s9;
	s0 =	simm.s32 @!p0 $0x0  }
0x12: {  	s1 =	sld [smem:$0x3F9D];
	s0 =	simm.s32 @p0 $0x1  }
0x13: {  	[smem:$0x3FB8] =	sst s0;
	s0 =	simm.s32 @!p1 $0x0  }
0x14: {  	s2 =	sld [smem:$0x3F9C];
	s0 =	simm.s32 @p1 $0x1  }
0x15: {  	[smem:$0x3FB9] =	sst s0;
	s0 =	simm.s32 @!p2 $0x0  }
0x16: {  	s3 =	sld [smem:$0x3FDB];
	s0 =	simm.s32 @p2 $0x1  }
0x17: {  	s4 =	simm.s32 $0x1BF5;
	[smem:$0x3FBB] =	sst s0  }
0x18: {  	s0 =	sld [smem:$0x3F9E];
	_ =	swait.ge [sflag:s4], $0x0  }
0x19: {  	s7 =	sld [smem:$0x3F9F]  }
0x1a: {  	s8 =	sadd.s32 $0xFFFFE003, lr  }
0x1b: {  	s9 =	sadd.s32 $0xFFFFFEF7, lr;
	s5 =	simm.s32 $0xFFFFFFFF;
	p2 =	slt.u32 s8, $0xFFFFF086  }
0x1c: {  	p1 =	slt.u32 s9, $0xF7A;
	s5 =	simm.s32 @!p2 $0x0  }
0x1d: {  	s5 =	simm.s32 @p1 $0x1;
	p0 =	seq.s32 s7, s2  }
0x1e: {  	s7 =	smul.u32 @!p0 $0xF7A, s2;
	p2 =	seq.s32 @!p0 s5, $0x0  }
0x1f: {  	s9 =	smul.u32 $0xF7A, s1;
	s8 =	simm.s32 @!p0 $0x1BF5;
	p2 =	por !p2, p0  }
0x20: {  	[sflag:s8] =	ssyncset.s32 @!p0 $0xFFFFF086;
	s6 =	sadd.s32 @!p0 s3, s7;
	s7 =	simm.s32 @!p0 $0x108  }
0x21: {  	s3 =	sadd.s32 s3, s9;
	s6 =	sadd.s32 @!p0 $0x88, s6;
	s7 =	simm.s32 @p2 $0x1082  }
0x22: {  	[simem:s7], [sflag:s8] =	dma.local @!p0 [hbm:s6], $0xF7A  }
0x23: {  	s9 =	sor.u32 $0xD0000000, s2;
	s6 =	simm.s32 $0x108;
	_ =	swait.ge @!p0 [sflag:s8], $0x0  }
0x24: {  	s3 =	sadd.s32 $0x88, s3;
	s6 =	simm.s32 @!p1 $0x1082;
	[sflag:s4] =	ssyncset.s32 $0xFFFFF086  }
0x25: {  	[simem:s6], [sflag:s4] =	dma.local [hbm:s3], $0xF7A  }
0x26: {  	[smem:$0x3F9F] =	sst s1;
	(tag) =	ssettag s2;
	_ =	strace s9  }
0x27: {  	s1 =	sld [smem:$0x3FAF]  }
0x28: {  	s2 =	sld [smem:$0x3FB0]  }
0x29: {  	s4 =	sld [smem:$0x3FB2]  }
0x2a: {  	p0 =	seq.s32 s5, $0x0;
	s5 =	sld [smem:$0x3FB3]  }
0x2b: {  	s6 =	sld [smem:$0x3FB4]  }
0x2c: {  	s7 =	sld [smem:$0x3FB5]  }
0x2d: {  	s3 =	simm.s32 $0x108;
	s8 =	sld [smem:$0x3FB6]  }
0x2e: {  	s3 =	simm.s32 @!p0 $0x1082;
	s9 =	sld [smem:$0x3FB7]  }
0x2f: {  	lr =	sadd.s32 s0, s3;
	s0 =	sld [smem:$0x3FAE]  }
0x30: {  	s3 =	sld [smem:$0x3FB1]  }
0x31: {  	[smem:$0x3FBA] =	sst s10  }
0x32: {  	s10 =	sld [smem:$0x3FB8];
	_ =	sdelay $0x3  }
0x33: {  	p0 =	seq.s32 s10, $0x1;
	s10 =	sld [smem:$0x3FBA];
	_ =	sdelay $0x3  }
0x34: {  	[smem:$0x3FBA] =	sst s10  }
0x35: {  	s10 =	sld [smem:$0x3FB9];
	_ =	sdelay $0x3  }
0x36: {  	p1 =	seq.s32 s10, $0x1;
	s10 =	sld [smem:$0x3FBA];
	_ =	sdelay $0x3  }
0x37: {  	[smem:$0x3FBA] =	sst s10  }
0x38: {  	s10 =	sld [smem:$0x3FBB]  }
0x39: {  	_ = 	snop;
	(pc) =	sbr.ind lr, $3  }
0x3a: {  	_ = 	snop  }
0x3b: {  	_ = 	snop  }
0x3c: {  	p2 =	seq.s32 s10, $0x1;
	s10 =	sld [smem:$0x3FBA]  }
0x3d: {  	_ =	shalt  }
0x3e: {  	_ =	shalt  }
0x3f: {  	_ =	shalt  }
0x40: {  	_ =	shalt  }
0x41: {  	_ =	shalt  }
0x42: {  	_ =	shalt  }
0x43: {  	_ =	shalt  }
0x44: {  	_ =	shalt  }
0x45: {  	_ =	shalt  }
0x46: {  	_ =	shalt  }
0x47: {  	_ =	shalt  }
0x48: {  	_ =	shalt  }
0x49: {  	_ =	shalt  }
0x4a: {  	_ =	shalt  }
0x4b: {  	_ =	shalt  }
0x4c: {  	_ =	shalt  }
0x4d: {  	_ =	shalt  }
0x4e: {  	_ =	shalt  }
0x4f: {  	_ =	shalt  }
0x50: {  	_ =	shalt  }
0x51: {  	_ =	shalt  }
0x52: {  	_ =	shalt  }
0x53: {  	_ =	shalt  }
0x54: {  	_ =	shalt  }
0x55: {  	_ =	shalt  }
0x56: {  	_ =	shalt  }
0x57: {  	_ =	shalt  }
0x58: {  	_ =	shalt  }
0x59: {  	_ =	shalt  }
0x5a: {  	_ =	shalt  }
0x5b: {  	_ =	shalt  }
0x5c: {  	_ =	shalt  }
0x5d: {  	_ =	shalt  }
0x5e: {  	_ =	shalt  }
0x5f: {  	_ =	shalt  }
0x60: {  	_ =	shalt  }
0x61: {  	_ =	shalt  }
0x62: {  	_ =	shalt  }
0x63: {  	_ =	shalt  }
0x64: {  	_ =	shalt  }
0x65: {  	_ =	shalt  }
0x66: {  	_ =	shalt  }
0x67: {  	_ =	shalt  }
0x68: {  	_ =	shalt  }
0x69: {  	_ =	shalt  }
0x6a: {  	_ =	shalt  }
0x6b: {  	_ =	shalt  }
0x6c: {  	_ =	shalt  }
0x6d: {  	_ =	shalt  }
0x6e: {  	_ =	shalt  }
0x6f: {  	_ =	shalt  }
0x70: {  	_ =	shalt  }
0x71: {  	_ =	shalt  }
0x72: {  	_ =	shalt  }
0x73: {  	_ =	shalt  }
0x74: {  	_ =	shalt  }
0x75: {  	_ =	shalt  }
0x76: {  	_ =	shalt  }
0x77: {  	_ =	shalt  }
0x78: {  	_ =	shalt  }
0x79: {  	_ =	shalt  }
0x7a: {  	_ =	shalt  }
0x7b: {  	_ =	shalt  }
0x7c: {  	_ =	shalt  }
0x7d: {  	_ =	shalt  }
0x7e: {  	_ =	shalt  }
0x7f: {  	_ =	shalt  }
0x80: {  	_ =	shalt  }
0x81: {  	_ =	shalt  }
0x82: {  	_ =	shalt  }
0x83: {  	_ =	shalt  }
0x84: {  	_ =	shalt  }
0x85: {  	_ =	shalt  }
0x86: {  	_ =	shalt  }
0x87: {  	_ =	shalt  }
.Lfunc_end0:
.L_simem_size_0:
called_computation_lowered:
.L_overlay_start_0:
0x88: {  	s2 =	sld [smem:$0x3FD9]  }
0x89: {  	s3 =	sld [smem:$0x3FFE];
	_ =	sdelay $0x1  }
0x8a: {  	s1 =	srdreg.scid  }
0x8b: {  	s0 =	sand.u32 $0x1, s1  }
0x8c: {  	s18 =	sshll.u32 s0, $0xA;
	s2 =	sadd.s32 s3, s2  }
0x8d: {  	s2 =	sadd.s32 s2, s18  }
0x8e: {  	[smem:$0x3FC6] =	sst s2  }
0x8f: {  	_ = 	snop  }
0x90: {  	s2 =	sld [smem:$0x3FC9]  }
0x91: {  	s19 =	sld [smem:$0x3FC8]  }
0x92: {  	s4 =	sld [smem:$0x3FD0];
	(tm) =	ssettm $0x1  }
0x93: {  	s5 =	sld [smem:$0x3FFB];
	_ =	sdelay $0x3  }
0x94: {  	_ =	strace s5  }
0x95: {  	s5 =	sld [smem:$0x3FFC];
	_ =	sdelay $0x3  }
0x96: {  	_ =	strace s5  }
0x97: {  	s5 =	sld [smem:$0x3FFD];
	_ =	sdelay $0x3  }
0x98: {  	_ =	strace s5  }
0x99: {  	_ =	strace $0x8FFFFFFF  }
0x9a: {  	s20 =	sld [smem:$0x3FDB];
	_ =	sdelay $0x1  }
0x9b: {  	s6 =	simm.s32 $_scs_section_size  }
0x9c: {  	s7 =	simm.s32 $_size__tile_overlayer_lowered;
	s8 =	simm.s32 $_tile_overlayer_lowered  }
0x9d: {  	s23 =	simm.s32 $0x1BFF;
	s22 =	sshll.u32 s8, $0x1;
	s5 =	sadd.s32 s6, s20  }
0x9e: {  	s9 =	simm.s32 $0x0;
	s21 =	sshll.u32 s7, $0x1;
	s7 =	sadd.s32 s22, s5  }
0x9f: {  	[timem:s9], [sflag:s23] =	dma.local [hbm:s7], s21  }
0xa0: {  	_ =	swait.ge [sflag:s23], s21  }
0xa1: {  	s6 =	ssub.s32 $0x0, s21;
	[sflag:s23] =	ssyncset.done $0x0  }
0xa2: {  	[sflag:s23] =	ssyncadd.s32 s6;
	_ =	sdelay $0x1  }
0xa3: {  	s24 =	simm.s32 $0x1B8B  }
0xa4: {  	_ =	swait.ge [sflag:s24], $0x1  }
0xa5: {  	[sflag:s24] =	ssyncset.done $0x0  }
0xa6: {  	s25 =	simm.s32 $0x1B8E;
	[sflag:s24] =	ssyncadd.s32 $0xFFFFFFFF  }
0xa7: {  	s26 =	simm.s32 $execute0_lowered;
	[smem:$0x3FD2] =	sst s25  }
0xa8: {  	s6 =	sshll.u32 s26, $0x1;
	_ =	strace $0x80000046;
	[dreg:$0x1] =	wrdreg $0xFFFFFFFF  }
0xa9: {  	s28 =	simm.s32 $_size_execute0_lowered;
	s5 =	sadd.s32 s5, s6;
	[dreg:$0x0] =	wrdreg $0x0  }
0xaa: {  	s6 =	sshll.u32 s28, $0x1;
	[dreg:$0x2] =	wrdreg s5  }
0xab: {  	[dreg:$0x3] =	wrdreg s6  }
0xac: {  	[dreg:$0x4] =	wrdreg $0xC0  }
0xad: {  	_ =	task [dreg:s9], $0x5FFFF  }
0xae: {  	[dreg:$0x1] =	wrdreg $0xFFFFFFFF  }
0xaf: {  	[dreg:$0x0] =	wrdreg $0x60  }
0xb0: {  	[dreg:$0x2] =	wrdreg s2  }
0xb1: {  	[dreg:$0x3] =	wrdreg s19  }
0xb2: {  	[dreg:$0x4] =	wrdreg s4  }
0xb3: {  	[dreg:$0x5] =	wrdreg $0x9  }
0xb4: {  	_ =	task.clear_ibuf [dreg:s9], $0x6FFFF;
	_ =	strace $0x90000046  }
0xb5: {  	s29 =	simm.s32 $0x9;
	_ =	strace $0x80000048  }
0xb6: {  	_ =	swait.ge [sflag:s29], $0x1  }
0xb7: {  	[sflag:s29] =	ssyncadd.s32 $0xFFFFFFFF  }
0xb8: {  	_ =	strace $0x90000048  }
0xb9: {  	_ =	sfence  }
0xba: {  	s30 =	sld [smem:$0x0];
	_ =	sdelay $0x2  }
0xbb: {  	s31 =	sshll.u32 s1, $0xD;
	s1 =	sshrl.u32 s1, $0x2  }
0xbc: {  	s3 =	sand.u32 $0x4000, s31;
	s1 =	sadd.s32 s1, s30  }
0xbd: {  	s0 =	sor.u32 s3, s0;
	s1 =	sshll.u32 s1, $0x11  }
0xbe: {  	s0 =	sor.u32 s1, s0  }
0xbf: {  	s0 =	sadd.s32 $0x8F2B, s0  }
0xc0: {  	[sflag:s0] =	ssyncadd.remote.s32 $0x1  }
0xc1: {  	_ =	sfence.sel $0xFFFF  }
0xc2: {  	[dreg:$0x0] =	wrdreg $0xFFFFFFFF;
	(pc) =	sbr.abs _section_cstart, $3  }
0xc3: {  	[dreg:$0x1] =	wrdreg $0xFFFFFFFF  }
0xc4: {  	_ =	task.clear_ibuf [dreg:s9], $0x2FFFF;
	_ =	strace $0x9FFFFFFF  }
0xc5: {  	(tm) =	ssettm $0x7FFFFFFF  }
tec
execute0_lowered:
.L_overlay_start_1:
0x0: {  	(tag) =	ssettag $0x1  }
0x1: {  	s2 =	rddreg [dreg:$0x0];
	s0 =	srdreg.scid  }
0x2: {  	s4 =	rddreg [dreg:$0x2];
	s1 =	stileid.u32;
	s5 =	simm.s32 $0x0  }
0x3: {  	s17 =	simm.s32 $0x7;
	s18 =	simm.s32 $0x800;
	s19 =	simm.s32 $0x4800  }
0x4: {  	s20 =	simm.s32 $0x8800;
	s21 =	simm.s32 $0x1;
	s22 =	simm.s32 $0xC800  }
0x5: {  	s28 =	simm.s32 $0x4;
	s29 =	simm.s32 $0x5;
	s30 =	simm.s32 $0x6  }
0x6: {  	s31 =	simm.s32 $0x0;
	s0 =	sand.u32 $0x1, s0;
	s1 =	sshll.u32 s1, $0xA  }
0x7: {  	[smem:$0x7FF] =	sst s5;
	s3 =	sshll.u32 s0, $0x9;
	s0 =	ssub.s32 $0x2, s0  }
0x8: {  	_ =	strace $0x80000047;
	s6 =	sor.u32 s3, s1;
	s23 =	sshrl.u32 s0, $0x1  }
0x9: {  	s3 =	sshll.u32 s6, $0x8;
	s0 =	ssub.s32 s0, s23;
	s10 =	sshrl.u32 s6, $0x3  }
0xa: {  	s23 =	simm.s32 $0x2;
	s7 =	sadd.s32 s2, s3;
	s11 =	sor.u32 $0x3, s10  }
0xb: {  	s12 =	sor.u32 $0x1, s10;
	s26 =	sadd.s32 s3, s4;
	s0 =	smax.u32 s0, $0x1  }
0xc: {  	s13 =	sor.u32 $0x4, s10;
	s24 =	sadd.s32 $0x800, s7;
	[dreg:$0x7] =	wrdreg s0  }
0xd: {  	s14 =	sor.u32 $0x5, s10;
	s25 =	sadd.s32 $0x1000, s7;
	[dreg:$0x4] =	wrdreg s24  }
0xe: {  	s1 =	sadd.s32 $0x1F800, s26;
	s26 =	simm.s32 $0x14800;
	[dreg:$0x5] =	wrdreg s25  }
0xf: {  	[dreg:$0x6] =	wrdreg s1;
	s24 =	simm.s32 $0x10800;
	s25 =	simm.s32 $0x3  }
.LBB2_1:
0x10: {  	s0 =	rddreg [dreg:$0x1]  }
0x11: {  	[tilespmem:s5], [sflag:$0x7] =	stream.linear.gather [hbm4b:s0+s5], $0x800, $0x38;
	[tilespmem:$0x18800] =	vst v63  }
0x12: {  	_ =	swait.ge [sflag:s17], $0x800  }
0x13: {  	[sflag:s17] =	ssyncset.done $0x0  }
0x14: {  	[sflag:s17] =	ssyncadd.s32 $0xFFFFF800  }
0x15: {  	[tilespmem:s18], [sflag:$0x1] =	stream.linear.gather [hbm4b:s7+s5], $0x4000, $0x38;
	[tilespmem:$0x18800] =	vst v63  }
0x16: {  	s15 =	rddreg [dreg:$0x4]  }
0x17: {  	[tilespmem:s19], [sflag:$0x2] =	stream.linear.gather [hbm4b:s15+s5], $0x4000, $0x38;
	[tilespmem:$0x18800] =	vst v63  }
0x18: {  	s0 =	simm.s32 $0x0;
	s16 =	rddreg [dreg:$0x5]  }
0x19: {  	[tilespmem:s20], [sflag:$0x3] =	stream.linear.gather [hbm4b:s16+s5], $0x4000, $0x38;
	[tilespmem:$0x18800] =	vst v63  }
.LBB2_2:
0x1a: {  	p0 =	seq.s32 s0, $0x0  }
0x1b: {  	s1 =	simm.s32 @!p0 $0x4  }
0x1c: {  	_ =	swait.ge @!p0 [sflag:s1], $0x4000  }
0x1d: {  	[sflag:s1] =	ssyncset.done @!p0 $0x0  }
0x1e: {  	[sflag:s1] =	ssyncadd.s32 @!p0 $0xFFFFC000  }
0x1f: {  	_ =	swait.ge [sflag:s21], $0x4000  }
0x20: {  	[sflag:s21] =	ssyncset.done $0x0  }
0x21: {  	s16 =	simm.s32 $0x40;
	[sflag:s21] =	ssyncadd.s32 $0xFFFFC000  }
0x22: {  	v0 =	vld [tilespmem:s16+$0x30]  }
0x23: {  	v1 =	vld [tilespmem:s16+$0xFFFFFFD0]  }
0x24: {  	v6 =	vld [tilespmem:s16+$0xFFFFFFF0]  }
0x25: {  	v3 =	vld [tilespmem:s16+$0xFFFFFFE0]  }
0x26: {  	v5 =	vld [tilespmem:s16+$0xFFFFFFC0]  }
0x27: {  	v2 =	vshll.u32 v0, $0x3  }
0x28: {  	v0 =	vand.u32 $0x7F, v0;
	v2 =	vand.u32 $0xFFFFFC00, v2  }
0x29: {  	v13 =	vshll.u32 v6, $0x3;
	v4 =	vor.u32 v0, v2;
	v0 =	vshll.u32 v1, $0x3  }
0x2a: {  	v6 =	vand.u32 $0x7F, v6;
	v2 =	vand.u32 $0xFFFFFC00, v0;
	v0 =	vshll.u32 v3, $0x3  }
0x2b: {  	v8 =	vld [tilespmem:s16+$0x10];
	v1 =	vand.u32 $0x7F, v1;
	v9 =	vand.u32 $0xFFFFFC00, v0;
	v0 =	vshll.u32 v5, $0x3  }
0x2c: {  	v7 =	vld [tilespmem:s16+$0x0];
	v5 =	vand.u32 $0x7F, v5;
	v2 =	vor.u32 v1, v2;
	v0 =	vand.u32 $0xFFFFFC00, v0  }
0x2d: {  	v3 =	vand.u32 $0x7F, v3;
	v0 =	vor.u32 v5, v0;
	v5 =	vand.u32 $0xFFFFFC00, v13  }
0x2e: {  	v1 =	vor.u32 v3, v9;
	v10 =	vld.idx.msk [tilespmem:v4+s18+$0x0], $0xffff;
	v3 =	vor.u32 v6, v5  }
0x2f: {  	v12 =	vld [tilespmem:s16+$0x20];
	v11 =	vor.u32 $0x80, v4  }
0x30: {  	v9 =	vshll.u32 v8, $0x3  }
0x31: {  	v13 =	vshll.u32 v7, $0x3;
	v5 =	vand.u32 $0xFFFFFC00, v9;
	v9 =	vld.idx.msk [tilespmem:v2+s18+$0x0], $0xffff  }
0x32: {  	s3 =	simm.s32 $0xCA00;
	v15 =	vor.u32 $0x80, v2;
	v7 =	vand.u32 $0x7F, v7;
	v13 =	vand.u32 $0xFFFFFC00, v13  }
0x33: {  	v6 =	vand.u32 $0x7F, v8;
	[tilespmem:s3+$0xFFFFFE70] =	vst v10;
	v10 =	vor.u32 v7, v13;
	v14 =	vld.idx.msk [tilespmem:v3+s18+$0x0], $0xffff  }
0x34: {  	v8 =	vshll.u32 v12, $0x3;
	v7 =	vld.idx.msk [tilespmem:v11+s18+$0x0], $0xffff;
	v11 =	vor.u32 v6, v5  }
0x35: {  	v13 =	vor.u32 $0x100, v4;
	v5 =	vld.idx.msk [tilespmem:v0+s18+$0x0], $0xffff;
	v6 =	vand.u32 $0xFFFFFC00, v8;
	v8 =	vand.u32 $0x7F, v12  }
0x36: {  	v12 =	vor.u32 v8, v6;
	v6 =	vld.idx.msk [tilespmem:v1+s18+$0x0], $0xffff;
	v8 =	vor.u32 $0x80, v0;
	[tilespmem:s3+$0xFFFFFE10] =	vst v9  }
0x37: {  	v15 =	vld.idx.msk [tilespmem:v15+s18+$0x0], $0xffff  }
0x38: {  	v17 =	vor.u32 $0x80, v1;
	v16 =	vld.idx.msk [tilespmem:v10+s18+$0x0], $0xffff  }
0x39: {  	v18 =	vld.idx.msk [tilespmem:v11+s18+$0x0], $0xffff;
	[tilespmem:s3+$0xFFFFFEF0] =	vst v7;
	v7 =	vor.u32 $0x80, v3  }
0x3a: {  	[tilespmem:s3+$0xFFFFFE00] =	vst v5;
	v5 =	vld.idx.msk [tilespmem:v13+s18+$0x0], $0xffff;
	v13 =	vor.u32 $0x80, v10  }
0x3b: {  	v19 =	vor.u32 $0x80, v11;
	[tilespmem:s3+$0xFFFFFE30] =	vst v14;
	v8 =	vld.idx.msk [tilespmem:v8+s18+$0x0], $0xffff  }
0x3c: {  	v9 =	vld.idx.msk [tilespmem:v12+s18+$0x0], $0xffff;
	[tilespmem:s3+$0xFFFFFE20] =	vst v6;
	v6 =	vor.u32 $0x180, v4  }
0x3d: {  	v14 =	vor.u32 $0x80, v12;
	v17 =	vld.idx.msk [tilespmem:v17+s18+$0x0], $0xffff;
	[tilespmem:s3+$0xFFFFFE40] =	vst v16  }
0x3e: {  	v16 =	vor.u32 $0x100, v0;
	v7 =	vld.idx.msk [tilespmem:v7+s18+$0x0], $0xffff;
	[tilespmem:s3+$0xFFFFFE50] =	vst v18  }
0x3f: {  	v18 =	vor.u32 $0x100, v2;
	v13 =	vld.idx.msk [tilespmem:v13+s18+$0x0], $0xffff;
	[tilespmem:s3+$0xFFFFFF70] =	vst v5  }
0x40: {  	v5 =	vor.u32 $0x100, v1;
	[tilespmem:s3+$0xFFFFFE80] =	vst v8;
	v8 =	vld.idx.msk [tilespmem:v19+s18+$0x0], $0xffff  }
0x41: {  	[tilespmem:s3+$0xFFFFFE60] =	vst v9;
	v9 =	vor.u32 $0x100, v3;
	v6 =	vld.idx.msk [tilespmem:v6+s18+$0x0], $0xffff  }
0x42: {  	[tilespmem:s3+$0xFFFFFE90] =	vst v15;
	v19 =	vor.u32 $0x100, v10;
	v14 =	vld.idx.msk [tilespmem:v14+s18+$0x0], $0xffff  }
0x43: {  	[tilespmem:s3+$0xFFFFFEA0] =	vst v17;
	v17 =	vor.u32 $0x100, v11;
	v16 =	vld.idx.msk [tilespmem:v16+s18+$0x0], $0xffff  }
0x44: {  	v15 =	vor.u32 $0x200, v4;
	v18 =	vld.idx.msk [tilespmem:v18+s18+$0x0], $0xffff;
	[tilespmem:s3+$0xFFFFFEB0] =	vst v7  }
0x45: {  	v7 =	vor.u32 $0x100, v12;
	v5 =	vld.idx.msk [tilespmem:v5+s18+$0x0], $0xffff;
	[tilespmem:s3+$0xFFFFFEC0] =	vst v13  }
0x46: {  	v13 =	vor.u32 $0x180, v0;
	v9 =	vld.idx.msk [tilespmem:v9+s18+$0x0], $0xffff;
	[tilespmem:s3+$0xFFFFFED0] =	vst v8  }
0x47: {  	[tilespmem:s3+$0xFFFFFFF0] =	vst v6;
	v6 =	vor.u32 $0x180, v2;
	v19 =	vld.idx.msk [tilespmem:v19+s18+$0x0], $0xffff  }
0x48: {  	[tilespmem:s3+$0xFFFFFEE0] =	vst v14;
	v14 =	vld.idx.msk [tilespmem:v17+s18+$0x0], $0xffff;
	v17 =	vor.u32 $0x180, v3  }
0x49: {  	v8 =	vld.idx.msk [tilespmem:v15+s18+$0x0], $0xffff;
	v15 =	vor.u32 $0x180, v1;
	[tilespmem:s3+$0xFFFFFF00] =	vst v16  }
0x4a: {  	v16 =	vor.u32 $0x280, v4;
	[tilespmem:s3+$0xFFFFFF10] =	vst v18;
	v7 =	vld.idx.msk [tilespmem:v7+s18+$0x0], $0xffff  }
0x4b: {  	v18 =	vor.u32 $0x180, v10;
	v13 =	vld.idx.msk [tilespmem:v13+s18+$0x0], $0xffff;
	[tilespmem:s3+$0xFFFFFF20] =	vst v5  }
0x4c: {  	v5 =	vor.u32 $0x180, v11;
	[tilespmem:s3+$0xFFFFFF30] =	vst v9;
	v6 =	vld.idx.msk [tilespmem:v6+s18+$0x0], $0xffff  }
0x4d: {  	v9 =	vor.u32 $0x180, v12;
	[tilespmem:s3+$0xFFFFFF40] =	vst v19;
	v17 =	vld.idx.msk [tilespmem:v17+s18+$0x0], $0xffff  }
0x4e: {  	v15 =	vld.idx.msk [tilespmem:v15+s18+$0x0], $0xffff;
	[tilespmem:s3+$0x70] =	vst v8;
	v8 =	vor.u32 $0x200, v0  }
0x4f: {  	v19 =	vor.u32 $0x200, v2;
	[tilespmem:s3+$0xFFFFFF50] =	vst v14;
	v16 =	vld.idx.msk [tilespmem:v16+s18+$0x0], $0xffff  }
0x50: {  	v14 =	vld.idx.msk [tilespmem:v18+s18+$0x0], $0xffff;
	[tilespmem:s3+$0xFFFFFF60] =	vst v7;
	v7 =	vor.u32 $0x300, v4  }
0x51: {  	v18 =	vor.u32 $0x200, v1;
	[tilespmem:s3+$0xFFFFFF80] =	vst v13;
	v5 =	vld.idx.msk [tilespmem:v5+s18+$0x0], $0xffff  }
0x52: {  	v13 =	vor.u32 $0x200, v3;
	[tilespmem:s3+$0xFFFFFF90] =	vst v6;
	v6 =	vld.idx.msk [tilespmem:v9+s18+$0x0], $0xffff  }
0x53: {  	v9 =	vor.u32 $0x200, v10;
	v8 =	vld.idx.msk [tilespmem:v8+s18+$0x0], $0xffff;
	[tilespmem:s3+$0xFFFFFFA0] =	vst v15  }
0x54: {  	v15 =	vor.u32 $0x200, v11;
	v19 =	vld.idx.msk [tilespmem:v19+s18+$0x0], $0xffff;
	[tilespmem:s3+$0xF0] =	vst v16  }
0x55: {  	[tilespmem:s3+$0xFFFFFFB0] =	vst v17;
	v16 =	vor.u32 $0x200, v12;
	v7 =	vld.idx.msk [tilespmem:v7+s18+$0x0], $0xffff  }
0x56: {  	v17 =	vor.u32 $0x280, v0;
	v18 =	vld.idx.msk [tilespmem:v18+s18+$0x0], $0xffff;
	[tilespmem:s3+$0xFFFFFFC0] =	vst v14  }
0x57: {  	v4 =	vor.u32 $0x380, v4;
	v13 =	vld.idx.msk [tilespmem:v13+s18+$0x0], $0xffff;
	[tilespmem:s3+$0xFFFFFFD0] =	vst v5  }
0x58: {  	v5 =	vor.u32 $0x280, v2;
	v9 =	vld.idx.msk [tilespmem:v9+s18+$0x0], $0xffff;
	[tilespmem:s3+$0xFFFFFFE0] =	vst v6  }
0x59: {  	v6 =	vor.u32 $0x280, v1;
	[tilespmem:s3+$0x0] =	vst v8;
	v8 =	vld.idx.msk [tilespmem:v15+s18+$0x0], $0xffff  }
0x5a: {  	v14 =	vor.u32 $0x280, v3;
	[tilespmem:s3+$0x10] =	vst v19;
	v15 =	vld.idx.msk [tilespmem:v16+s18+$0x0], $0xffff  }
0x5b: {  	v16 =	vor.u32 $0x280, v10;
	v17 =	vld.idx.msk [tilespmem:v17+s18+$0x0], $0xffff;
	[tilespmem:s3+$0x170] =	vst v7  }
0x5c: {  	v7 =	vor.u32 $0x280, v11;
	[tilespmem:s3+$0x20] =	vst v18;
	v4 =	vld.idx.msk [tilespmem:v4+s18+$0x0], $0xffff  }
0x5d: {  	v18 =	vor.u32 $0x280, v12;
	v5 =	vld.idx.msk [tilespmem:v5+s18+$0x0], $0xffff;
	[tilespmem:s3+$0x30] =	vst v13  }
0x5e: {  	v13 =	vor.u32 $0x300, v0;
	v6 =	vld.idx.msk [tilespmem:v6+s18+$0x0], $0xffff;
	[tilespmem:s3+$0x40] =	vst v9  }
0x5f: {  	v9 =	vor.u32 $0x300, v2;
	v19 =	vld.idx.msk [tilespmem:v14+s18+$0x0], $0xffff;
	[tilespmem:s3+$0x50] =	vst v8  }
0x60: {  	v20 =	vor.u32 $0x300, v1;
	v21 =	vld.idx.msk [tilespmem:v16+s18+$0x0], $0xffff;
	[tilespmem:s3+$0x60] =	vst v15  }
0x61: {  	v22 =	vor.u32 $0x300, v3;
	[tilespmem:s3+$0x80] =	vst v17;
	v17 =	vld.idx.msk [tilespmem:v7+s18+$0x0], $0xffff  }
0x62: {  	v23 =	vor.u32 $0x300, v10;
	v15 =	vld.idx.msk [tilespmem:v18+s18+$0x0], $0xffff;
	[tilespmem:s3+$0x1F0] =	vst v4  }
0x63: {  	v14 =	vld.idx.msk [tilespmem:v13+s18+$0x0], $0xffff;
	[tilespmem:s3+$0x90] =	vst v5  }
0x64: {  	v13 =	vld.idx.msk [tilespmem:v9+s18+$0x0], $0xffff;
	[tilespmem:s3+$0xA0] =	vst v6  }
0x65: {  	v8 =	vor.u32 $0x300, v11;
	v7 =	vor.u32 $0x380, v0;
	v0 =	vor.u32 $0x380, v12;
	[tilespmem:s3+$0xB0] =	vst v19;
	v16 =	vld.idx.msk [tilespmem:v20+s18+$0x0], $0xffff  }
0x66: {  	s9 =	simm.s32 $0x0;
	v5 =	vor.u32 $0x380, v1;
	v4 =	vor.u32 $0x380, v3;
	v1 =	vor.u32 $0x380, v11;
	v3 =	vld.idx.msk [tilespmem:v22+s18+$0x0], $0xffff;
	[tilespmem:s3+$0xC0] =	vst v21  }
0x67: {  	s15 =	simm.s32 $0xC0;
	s8 =	simm.s32 $0xCA00;
	s1 =	smul.u32 $0x3, s0;
	v6 =	vor.u32 $0x380, v2;
	v9 =	vor.u32 $0x300, v12;
	v2 =	vor.u32 $0x380, v10;
	v10 =	vld.idx.msk [tilespmem:v23+s18+$0x0], $0xffff;
	[tilespmem:s3+$0xD0] =	vst v17  }
.LBB2_3:
0x68: {  	v11 =	vld [tilespmem:s15+$0x30];
	s9 =	sadd.s32 $0x8, s9;
	[tilespmem:s3+$0xE0] =	vst v15  }
0x69: {  	v12 =	vld [tilespmem:s15+$0xFFFFFFD0];
	p1 =	slt.u32 s9, $0x78;
	[tilespmem:s3+$0x100] =	vst v14  }
0x6a: {  	v14 =	vld [tilespmem:s15+$0xFFFFFFE0];
	[tilespmem:s3+$0x110] =	vst v13  }
0x6b: {  	v13 =	vld [tilespmem:s15+$0xFFFFFFF0];
	[tilespmem:s3+$0x120] =	vst v16  }
0x6c: {  	v15 =	vld [tilespmem:s15+$0x0];
	[tilespmem:s3+$0x130] =	vst v3  }
0x6d: {  	v16 =	vld [tilespmem:s15+$0x10];
	v3 =	vshll.u32 v11, $0x3;
	[tilespmem:s3+$0x140] =	vst v10  }
0x6e: {  	v11 =	vand.u32 $0x7F, v11;
	v10 =	vshll.u32 v12, $0x3;
	v17 =	vld [tilespmem:s15+$0x20];
	v3 =	vand.u32 $0xFFFFFC00, v3  }
0x6f: {  	v18 =	vld [tilespmem:s15+$0xFFFFFFC0];
	v10 =	vand.u32 $0xFFFFFC00, v10;
	v19 =	vshll.u32 v14, $0x3;
	v3 =	vor.u32 v11, v3  }
0x70: {  	v11 =	vand.u32 $0x7F, v12;
	v12 =	vand.u32 $0xFFFFFC00, v19;
	v19 =	vshll.u32 v13, $0x3;
	v8 =	vld.idx.msk [tilespmem:v8+s18+$0x0], $0xffff  }
0x71: {  	v14 =	vand.u32 $0x7F, v14;
	v19 =	vand.u32 $0xFFFFFC00, v19;
	v20 =	vshll.u32 v15, $0x3;
	v9 =	vld.idx.msk [tilespmem:v9+s18+$0x0], $0xffff  }
0x72: {  	v13 =	vand.u32 $0x7F, v13;
	v20 =	vand.u32 $0xFFFFFC00, v20;
	v21 =	vshll.u32 v16, $0x3;
	v7 =	vld.idx.msk [tilespmem:v7+s18+$0x0], $0xffff  }
0x73: {  	v15 =	vand.u32 $0x7F, v15;
	v21 =	vand.u32 $0xFFFFFC00, v21;
	v22 =	vshll.u32 v17, $0x3;
	v6 =	vld.idx.msk [tilespmem:v6+s18+$0x0], $0xffff  }
0x74: {  	v23 =	vand.u32 $0x7F, v18;
	v18 =	vshll.u32 v18, $0x3;
	v22 =	vand.u32 $0xFFFFFC00, v22;
	v24 =	vld.idx.msk [tilespmem:v3+s18+$0x0], $0xffff  }
0x75: {  	v16 =	vand.u32 $0x7F, v16;
	v17 =	vand.u32 $0x7F, v17;
	v18 =	vand.u32 $0xFFFFFC00, v18;
	v5 =	vld.idx.msk [tilespmem:v5+s18+$0x0], $0xffff  }
0x76: {  	v25 =	vor.u32 v11, v10;
	v10 =	vor.u32 $0x80, v3;
	v23 =	vor.u32 v23, v18;
	v4 =	vld.idx.msk [tilespmem:v4+s18+$0x0], $0xffff;
	[tilespmem:s3+$0x150] =	vst v8  }
0x77: {  	v26 =	vor.u32 v14, v12;
	v27 =	vor.u32 v13, v19;
	v28 =	vor.u32 v15, v20;
	[tilespmem:s3+$0x160] =	vst v9  }
0x78: {  	v21 =	vor.u32 v16, v21;
	v22 =	vor.u32 v17, v22;
	v8 =	vor.u32 $0x80, v23;
	[tilespmem:s3+$0x180] =	vst v7;
	v2 =	vld.idx.msk [tilespmem:v2+s18+$0x0], $0xffff  }
0x79: {  	v29 =	vor.u32 $0x80, v27;
	v9 =	vor.u32 $0x80, v26;
	v7 =	vor.u32 $0x80, v25;
	s3 =	sadd.s32 $0x400, s3;
	[tilespmem:s8+$0x190] =	vst v6;
	v1 =	vld.idx.msk [tilespmem:v1+s18+$0x0], $0xffff  }
0x7a: {  	v30 =	vor.u32 $0x80, v28;
	v31 =	vor.u32 $0x80, v21;
	v32 =	vor.u32 $0x80, v22;
	[tilespmem:s3+$0xFFFFFE70] =	vst v24;
	v0 =	vld.idx.msk [tilespmem:v0+s18+$0x0], $0xffff  }
0x7b: {  	v33 =	vor.u32 $0x100, v25;
	v34 =	vor.u32 $0x100, v26;
	v24 =	vor.u32 $0x100, v23;
	v6 =	vld.idx.msk [tilespmem:v10+s18+$0x0], $0xffff;
	[tilespmem:s8+$0x1A0] =	vst v5  }
0x7c: {  	v35 =	vor.u32 $0x100, v27;
	v36 =	vor.u32 $0x100, v28;
	v37 =	vor.u32 $0x100, v21;
	v5 =	vld.idx.msk [tilespmem:v23+s18+$0x0], $0xffff;
	[tilespmem:s8+$0x1B0] =	vst v4  }
0x7d: {  	v39 =	vor.u32 $0x100, v22;
	v38 =	vor.u32 $0x180, v23;
	v10 =	vor.u32 $0x100, v3;
	v4 =	vld.idx.msk [tilespmem:v25+s18+$0x0], $0xffff  }
0x7e: {  	v40 =	vor.u32 $0x180, v25;
	v41 =	vor.u32 $0x180, v26;
	v42 =	vor.u32 $0x180, v27;
	v11 =	vld.idx.msk [tilespmem:v26+s18+$0x0], $0xffff;
	[tilespmem:s8+$0x1C0] =	vst v2  }
0x7f: {  	v43 =	vor.u32 $0x180, v28;
	v44 =	vor.u32 $0x180, v21;
	v45 =	vor.u32 $0x180, v22;
	v2 =	vld.idx.msk [tilespmem:v27+s18+$0x0], $0xffff;
	[tilespmem:s8+$0x1D0] =	vst v1  }
0x80: {  	v47 =	vor.u32 $0x200, v25;
	v48 =	vor.u32 $0x200, v26;
	v46 =	vor.u32 $0x200, v23;
	v1 =	vld.idx.msk [tilespmem:v28+s18+$0x0], $0xffff;
	[tilespmem:s8+$0x1E0] =	vst v0;
	s8 =	smov.u32 s3  }
0x81: {  	v49 =	vor.u32 $0x200, v27;
	v50 =	vor.u32 $0x200, v28;
	v51 =	vor.u32 $0x200, v21;
	v0 =	vld.idx.msk [tilespmem:v21+s18+$0x0], $0xffff;
	[tilespmem:s3+$0xFFFFFEF0] =	vst v6  }
0x82: {  	v18 =	vor.u32 $0x280, v25;
	v53 =	vor.u32 $0x200, v22;
	v52 =	vor.u32 $0x280, v23;
	[tilespmem:s3+$0xFFFFFE00] =	vst v5;
	v54 =	vld.idx.msk [tilespmem:v10+s18+$0x0], $0xffff  }
0x83: {  	v20 =	vor.u32 $0x280, v26;
	v19 =	vor.u32 $0x280, v27;
	v15 =	vor.u32 $0x280, v28;
	[tilespmem:s3+$0xFFFFFE10] =	vst v4;
	v55 =	vld.idx.msk [tilespmem:v22+s18+$0x0], $0xffff  }
0x84: {  	v57 =	vor.u32 $0x180, v3;
	v17 =	vor.u32 $0x280, v21;
	v16 =	vor.u32 $0x280, v22;
	v56 =	vld.idx.msk [tilespmem:v8+s18+$0x0], $0xffff;
	[tilespmem:s3+$0xFFFFFE20] =	vst v11  }
0x85: {  	v13 =	vor.u32 $0x300, v25;
	v14 =	vor.u32 $0x300, v23;
	v10 =	vor.u32 $0x300, v26;
	v58 =	vld.idx.msk [tilespmem:v7+s18+$0x0], $0xffff;
	[tilespmem:s3+$0xFFFFFE30] =	vst v2  }
0x86: {  	v12 =	vor.u32 $0x300, v27;
	v11 =	vor.u32 $0x300, v28;
	v8 =	vor.u32 $0x300, v21;
	v59 =	vld.idx.msk [tilespmem:v9+s18+$0x0], $0xffff;
	[tilespmem:s3+$0xFFFFFE40] =	vst v1  }
0x87: {  	v6 =	vor.u32 $0x380, v25;
	v7 =	vor.u32 $0x380, v23;
	v9 =	vor.u32 $0x300, v22;
	v23 =	vld.idx.msk [tilespmem:v29+s18+$0x0], $0xffff;
	[tilespmem:s3+$0xFFFFFE50] =	vst v0  }
0x88: {  	v5 =	vor.u32 $0x380, v26;
	v4 =	vor.u32 $0x380, v27;
	v2 =	vor.u32 $0x380, v28;
	v25 =	vld.idx.msk [tilespmem:v30+s18+$0x0], $0xffff;
	[tilespmem:s3+$0xFFFFFF70] =	vst v54  }
0x89: {  	v1 =	vor.u32 $0x380, v21;
	v0 =	vor.u32 $0x380, v22;
	[tilespmem:s3+$0xFFFFFE60] =	vst v55;
	v21 =	vld.idx.msk [tilespmem:v57+s18+$0x0], $0xffff  }
0x8a: {  	[tilespmem:s3+$0xFFFFFE80] =	vst v56;
	v22 =	vld.idx.msk [tilespmem:v31+s18+$0x0], $0xffff  }
0x8b: {  	v27 =	vor.u32 $0x200, v3;
	[tilespmem:s3+$0xFFFFFE90] =	vst v58;
	v26 =	vld.idx.msk [tilespmem:v32+s18+$0x0], $0xffff  }
0x8c: {  	v24 =	vld.idx.msk [tilespmem:v24+s18+$0x0], $0xffff;
	[tilespmem:s3+$0xFFFFFEA0] =	vst v59  }
0x8d: {  	v28 =	vld.idx.msk [tilespmem:v33+s18+$0x0], $0xffff;
	[tilespmem:s3+$0xFFFFFEB0] =	vst v23  }
0x8e: {  	v23 =	vld.idx.msk [tilespmem:v34+s18+$0x0], $0xffff;
	[tilespmem:s3+$0xFFFFFEC0] =	vst v25  }
0x8f: {  	v25 =	vld.idx.msk [tilespmem:v35+s18+$0x0], $0xffff;
	[tilespmem:s3+$0xFFFFFFF0] =	vst v21  }
0x90: {  	[tilespmem:s3+$0xFFFFFED0] =	vst v22;
	v21 =	vld.idx.msk [tilespmem:v27+s18+$0x0], $0xffff  }
0x91: {  	v22 =	vld.idx.msk [tilespmem:v36+s18+$0x0], $0xffff;
	[tilespmem:s3+$0xFFFFFEE0] =	vst v26  }
0x92: {  	v26 =	vor.u32 $0x280, v3;
	[tilespmem:s3+$0xFFFFFF00] =	vst v24;
	v24 =	vld.idx.msk [tilespmem:v37+s18+$0x0], $0xffff  }
0x93: {  	[tilespmem:s3+$0xFFFFFF10] =	vst v28;
	v27 =	vld.idx.msk [tilespmem:v39+s18+$0x0], $0xffff  }
0x94: {  	v28 =	vld.idx.msk [tilespmem:v38+s18+$0x0], $0xffff;
	[tilespmem:s3+$0xFFFFFF20] =	vst v23  }
0x95: {  	v23 =	vld.idx.msk [tilespmem:v40+s18+$0x0], $0xffff;
	[tilespmem:s3+$0xFFFFFF30] =	vst v25  }
0x96: {  	v25 =	vld.idx.msk [tilespmem:v41+s18+$0x0], $0xffff;
	[tilespmem:s3+$0x70] =	vst v21  }
0x97: {  	[tilespmem:s3+$0xFFFFFF40] =	vst v22;
	v21 =	vld.idx.msk [tilespmem:v26+s18+$0x0], $0xffff  }
0x98: {  	v22 =	vld.idx.msk [tilespmem:v42+s18+$0x0], $0xffff;
	[tilespmem:s3+$0xFFFFFF50] =	vst v24  }
0x99: {  	v26 =	vor.u32 $0x300, v3;
	v24 =	vld.idx.msk [tilespmem:v43+s18+$0x0], $0xffff;
	[tilespmem:s3+$0xFFFFFF60] =	vst v27  }
0x9a: {  	[tilespmem:s3+$0xFFFFFF80] =	vst v28;
	v27 =	vld.idx.msk [tilespmem:v44+s18+$0x0], $0xffff  }
0x9b: {  	[tilespmem:s3+$0xFFFFFF90] =	vst v23;
	v23 =	vld.idx.msk [tilespmem:v45+s18+$0x0], $0xffff  }
0x9c: {  	v28 =	vld.idx.msk [tilespmem:v46+s18+$0x0], $0xffff;
	[tilespmem:s3+$0xFFFFFFA0] =	vst v25  }
0x9d: {  	v25 =	vld.idx.msk [tilespmem:v47+s18+$0x0], $0xffff;
	[tilespmem:s3+$0xF0] =	vst v21  }
0x9e: {  	[tilespmem:s3+$0xFFFFFFB0] =	vst v22;
	v21 =	vld.idx.msk [tilespmem:v26+s18+$0x0], $0xffff  }
0x9f: {  	v22 =	vld.idx.msk [tilespmem:v48+s18+$0x0], $0xffff;
	[tilespmem:s3+$0xFFFFFFC0] =	vst v24  }
0xa0: {  	v3 =	vor.u32 $0x380, v3;
	v24 =	vld.idx.msk [tilespmem:v49+s18+$0x0], $0xffff;
	[tilespmem:s3+$0xFFFFFFD0] =	vst v27  }
0xa1: {  	v26 =	vld.idx.msk [tilespmem:v50+s18+$0x0], $0xffff;
	[tilespmem:s3+$0xFFFFFFE0] =	vst v23  }
0xa2: {  	[tilespmem:s3+$0x0] =	vst v28;
	v23 =	vld.idx.msk [tilespmem:v51+s18+$0x0], $0xffff  }
0xa3: {  	[tilespmem:s3+$0x10] =	vst v25;
	v25 =	vld.idx.msk [tilespmem:v53+s18+$0x0], $0xffff  }
0xa4: {  	v27 =	vld.idx.msk [tilespmem:v52+s18+$0x0], $0xffff;
	[tilespmem:s3+$0x170] =	vst v21  }
0xa5: {  	[tilespmem:s3+$0x20] =	vst v22;
	v3 =	vld.idx.msk [tilespmem:v3+s18+$0x0], $0xffff  }
0xa6: {  	v18 =	vld.idx.msk [tilespmem:v18+s18+$0x0], $0xffff;
	[tilespmem:s3+$0x30] =	vst v24  }
0xa7: {  	v20 =	vld.idx.msk [tilespmem:v20+s18+$0x0], $0xffff;
	[tilespmem:s3+$0x40] =	vst v26  }
0xa8: {  	v19 =	vld.idx.msk [tilespmem:v19+s18+$0x0], $0xffff;
	[tilespmem:s3+$0x50] =	vst v23  }
0xa9: {  	v21 =	vld.idx.msk [tilespmem:v15+s18+$0x0], $0xffff;
	[tilespmem:s3+$0x60] =	vst v25  }
0xaa: {  	[tilespmem:s3+$0x80] =	vst v27;
	v17 =	vld.idx.msk [tilespmem:v17+s18+$0x0], $0xffff  }
0xab: {  	v15 =	vld.idx.msk [tilespmem:v16+s18+$0x0], $0xffff;
	[tilespmem:s3+$0x1F0] =	vst v3  }
.Ltmp0:
0xac: {  	v14 =	vld.idx.msk [tilespmem:v14+s18+$0x0], $0xffff;
	[tilespmem:s3+$0x90] =	vst v18;
	(pc) =	sbr.rel @p1 .LBB2_3-.Ltmp0, $4  }
0xad: {  	v13 =	vld.idx.msk [tilespmem:v13+s18+$0x0], $0xffff;
	[tilespmem:s3+$0xA0] =	vst v20  }
0xae: {  	v16 =	vld.idx.msk [tilespmem:v10+s18+$0x0], $0xffff;
	[tilespmem:s3+$0xB0] =	vst v19  }
0xaf: {  	v3 =	vld.idx.msk [tilespmem:v12+s18+$0x0], $0xffff;
	[tilespmem:s3+$0xC0] =	vst v21  }
0xb0: {  	s15 =	sadd.s32 $0x80, s15;
	v10 =	vld.idx.msk [tilespmem:v11+s18+$0x0], $0xffff;
	[tilespmem:s3+$0xD0] =	vst v17  }
0xb1: {  	_ =	sdelay $0x2  }
0xb2: {  	[tilespmem:s3+$0xE0] =	vst v15  }
0xb3: {  	[tilespmem:s3+$0x100] =	vst v14;
	v8 =	vld.idx.msk [tilespmem:v8+s18+$0x0], $0xffff  }
0xb4: {  	[tilespmem:s3+$0x110] =	vst v13;
	v9 =	vld.idx.msk [tilespmem:v9+s18+$0x0], $0xffff  }
0xb5: {  	v7 =	vld.idx.msk [tilespmem:v7+s18+$0x0], $0xffff;
	[tilespmem:s3+$0x120] =	vst v16  }
0xb6: {  	[tilespmem:s3+$0x130] =	vst v3;
	v3 =	vld.idx.msk [tilespmem:v6+s18+$0x0], $0xffff  }
0xb7: {  	v5 =	vld.idx.msk [tilespmem:v5+s18+$0x0], $0xffff;
	[tilespmem:s3+$0x140] =	vst v10  }
0xb8: {  	v4 =	vld.idx.msk [tilespmem:v4+s18+$0x0], $0xffff;
	[tilespmem:s3+$0x150] =	vst v8  }
0xb9: {  	v2 =	vld.idx.msk [tilespmem:v2+s18+$0x0], $0xffff;
	[tilespmem:s3+$0x160] =	vst v9  }
0xba: {  	[tilespmem:s3+$0x180] =	vst v7;
	v1 =	vld.idx.msk [tilespmem:v1+s18+$0x0], $0xffff  }
0xbb: {  	v0 =	vld.idx.msk [tilespmem:v0+s18+$0x0], $0xffff;
	[tilespmem:s8+$0x190] =	vst v3  }
0xbc: {  	s9 =	smul.u32 $0x18, s0;
	[tilespmem:s8+$0x1A0] =	vst v5  }
0xbd: {  	[tilespmem:s8+$0x1B0] =	vst v4  }
0xbe: {  	s3 =	sadd.s32 s6, s9;
	[tilespmem:s8+$0x1C0] =	vst v2  }
0xbf: {  	s3 =	sshll.u32 s3, $0x8;
	[tilespmem:s8+$0x1D0] =	vst v1  }
0xc0: {  	s15 =	sadd.s32 s1, s11;
	s3 =	sadd.s32 s4, s3;
	[tilespmem:s8+$0x1E0] =	vst v0  }
0xc1: {  	[hbm4b:s3+s5] =	stream.linear.scatter [tilespmem:s22], [sflag:$0x4], $0x4000, $0x38;
	[tilespmem:$0x18800] =	vst v63  }
0xc2: {  	s3 =	sshll.u32 s15, $0xB  }
0xc3: {  	s3 =	sadd.s32 s2, s3  }
0xc4: {  	[tilespmem:s18], [sflag:$0x1] =	stream.linear.gather [hbm4b:s3+s5], $0x4000, $0x38;
	[tilespmem:$0x18800] =	vst v63  }
0xc5: {  	s3 =	simm.s32 @!p0 $0x5  }
0xc6: {  	_ =	swait.ge @!p0 [sflag:s3], $0x4000  }
0xc7: {  	[sflag:s3] =	ssyncset.done @!p0 $0x0  }
0xc8: {  	[sflag:s3] =	ssyncadd.s32 @!p0 $0xFFFFC000  }
0xc9: {  	_ =	swait.ge [sflag:s23], $0x4000  }
0xca: {  	[sflag:s23] =	ssyncset.done $0x0  }
0xcb: {  	s16 =	simm.s32 $0x40;
	[sflag:s23] =	ssyncadd.s32 $0xFFFFC000  }
0xcc: {  	v0 =	vld [tilespmem:s16+$0x30];
	_ =	sdelay $0x3  }
0xcd: {  	v1 =	vld [tilespmem:s16+$0xFFFFFFD0]  }
0xce: {  	v2 =	vshll.u32 v0, $0x3  }
0xcf: {  	v3 =	vld [tilespmem:s16+$0xFFFFFFE0];
	v0 =	vand.u32 $0x7F, v0;
	v2 =	vand.u32 $0xFFFFFC00, v2  }
0xd0: {  	v5 =	vld [tilespmem:s16+$0xFFFFFFC0];
	v4 =	vor.u32 v0, v2;
	_ =	sdelay $0x1  }
0xd1: {  	v2 =	vld [tilespmem:s16+$0xFFFFFFF0];
	v0 =	vshll.u32 v1, $0x3  }
0xd2: {  	v7 =	vld [tilespmem:s16+$0x10];
	v1 =	vand.u32 $0x7F, v1;
	v8 =	vand.u32 $0xFFFFFC00, v0  }
0xd3: {  	v6 =	vld [tilespmem:s16+$0x0];
	v0 =	vshll.u32 v3, $0x3;
	v1 =	vor.u32 v1, v8  }
0xd4: {  	v11 =	vor.u32 $0x80, v4;
	v9 =	vand.u32 $0xFFFFFC00, v0;
	v0 =	vshll.u32 v5, $0x3;
	v10 =	vld.idx.msk [tilespmem:v4+s19+$0x0], $0xffff  }
0xd5: {  	v12 =	vld [tilespmem:s16+$0x20];
	v3 =	vand.u32 $0x7F, v3;
	v5 =	vand.u32 $0x7F, v5;
	v0 =	vand.u32 $0xFFFFFC00, v0  }
0xd6: {  	v0 =	vor.u32 v5, v0;
	v13 =	vshll.u32 v2, $0x3;
	v8 =	vand.u32 $0x7F, v2  }
0xd7: {  	v2 =	vor.u32 v3, v9;
	v9 =	vshll.u32 v7, $0x3;
	v5 =	vand.u32 $0xFFFFFC00, v13  }
0xd8: {  	s3 =	simm.s32 $0x10A00;
	v13 =	vshll.u32 v6, $0x3;
	v3 =	vor.u32 v8, v5;
	v5 =	vand.u32 $0xFFFFFC00, v9;
	v9 =	vld.idx.msk [tilespmem:v1+s19+$0x0], $0xffff  }
0xd9: {  	v15 =	vor.u32 $0x80, v1;
	v6 =	vand.u32 $0x7F, v6;
	v13 =	vand.u32 $0xFFFFFC00, v13;
	[tilespmem:s3+$0xFFFFFE70] =	vst v10  }
0xda: {  	v7 =	vand.u32 $0x7F, v7;
	v8 =	vshll.u32 v12, $0x3;
	v10 =	vor.u32 v6, v13;
	v6 =	vld.idx.msk [tilespmem:v11+s19+$0x0], $0xffff  }
0xdb: {  	v11 =	vor.u32 v7, v5;
	v5 =	vld.idx.msk [tilespmem:v0+s19+$0x0], $0xffff;
	v7 =	vand.u32 $0xFFFFFC00, v8;
	v8 =	vand.u32 $0x7F, v12  }
0xdc: {  	v13 =	vor.u32 $0x100, v4;
	v12 =	vor.u32 v8, v7;
	v7 =	vld.idx.msk [tilespmem:v2+s19+$0x0], $0xffff  }
0xdd: {  	v8 =	vor.u32 $0x80, v0;
	v14 =	vld.idx.msk [tilespmem:v3+s19+$0x0], $0xffff;
	[tilespmem:s3+$0xFFFFFE10] =	vst v9  }
0xde: {  	v15 =	vld.idx.msk [tilespmem:v15+s19+$0x0], $0xffff  }
0xdf: {  	v17 =	vor.u32 $0x80, v2;
	v16 =	vld.idx.msk [tilespmem:v10+s19+$0x0], $0xffff  }
0xe0: {  	v18 =	vld.idx.msk [tilespmem:v11+s19+$0x0], $0xffff;
	[tilespmem:s3+$0xFFFFFEF0] =	vst v6;
	v6 =	vor.u32 $0x80, v3  }
0xe1: {  	[tilespmem:s3+$0xFFFFFE00] =	vst v5;
	v5 =	vld.idx.msk [tilespmem:v13+s19+$0x0], $0xffff;
	v13 =	vor.u32 $0x80, v10  }
0xe2: {  	v19 =	vor.u32 $0x80, v11;
	v8 =	vld.idx.msk [tilespmem:v8+s19+$0x0], $0xffff;
	[tilespmem:s3+$0xFFFFFE20] =	vst v7  }
0xe3: {  	v9 =	vld.idx.msk [tilespmem:v12+s19+$0x0], $0xffff;
	v7 =	vor.u32 $0x180, v4;
	[tilespmem:s3+$0xFFFFFE30] =	vst v14  }
0xe4: {  	v14 =	vor.u32 $0x80, v12;
	v17 =	vld.idx.msk [tilespmem:v17+s19+$0x0], $0xffff;
	[tilespmem:s3+$0xFFFFFE40] =	vst v16  }
0xe5: {  	v16 =	vor.u32 $0x100, v0;
	v6 =	vld.idx.msk [tilespmem:v6+s19+$0x0], $0xffff;
	[tilespmem:s3+$0xFFFFFE50] =	vst v18  }
0xe6: {  	v18 =	vor.u32 $0x100, v1;
	v13 =	vld.idx.msk [tilespmem:v13+s19+$0x0], $0xffff;
	[tilespmem:s3+$0xFFFFFF70] =	vst v5  }
0xe7: {  	v5 =	vor.u32 $0x100, v2;
	[tilespmem:s3+$0xFFFFFE80] =	vst v8;
	v8 =	vld.idx.msk [tilespmem:v19+s19+$0x0], $0xffff  }
0xe8: {  	[tilespmem:s3+$0xFFFFFE60] =	vst v9;
	v9 =	vor.u32 $0x100, v3;
	v7 =	vld.idx.msk [tilespmem:v7+s19+$0x0], $0xffff  }
0xe9: {  	[tilespmem:s3+$0xFFFFFE90] =	vst v15;
	v19 =	vor.u32 $0x100, v10;
	v14 =	vld.idx.msk [tilespmem:v14+s19+$0x0], $0xffff  }
0xea: {  	[tilespmem:s3+$0xFFFFFEA0] =	vst v17;
	v17 =	vor.u32 $0x100, v11;
	v16 =	vld.idx.msk [tilespmem:v16+s19+$0x0], $0xffff  }
0xeb: {  	v15 =	vor.u32 $0x200, v4;
	v18 =	vld.idx.msk [tilespmem:v18+s19+$0x0], $0xffff;
	[tilespmem:s3+$0xFFFFFEB0] =	vst v6  }
0xec: {  	v6 =	vor.u32 $0x100, v12;
	v5 =	vld.idx.msk [tilespmem:v5+s19+$0x0], $0xffff;
	[tilespmem:s3+$0xFFFFFEC0] =	vst v13  }
0xed: {  	v13 =	vor.u32 $0x180, v0;
	v9 =	vld.idx.msk [tilespmem:v9+s19+$0x0], $0xffff;
	[tilespmem:s3+$0xFFFFFED0] =	vst v8  }
0xee: {  	[tilespmem:s3+$0xFFFFFFF0] =	vst v7;
	v7 =	vor.u32 $0x180, v1;
	v19 =	vld.idx.msk [tilespmem:v19+s19+$0x0], $0xffff  }
0xef: {  	[tilespmem:s3+$0xFFFFFEE0] =	vst v14;
	v14 =	vld.idx.msk [tilespmem:v17+s19+$0x0], $0xffff;
	v17 =	vor.u32 $0x180, v3  }
0xf0: {  	v8 =	vld.idx.msk [tilespmem:v15+s19+$0x0], $0xffff;
	v15 =	vor.u32 $0x180, v2;
	[tilespmem:s3+$0xFFFFFF00] =	vst v16  }
0xf1: {  	v16 =	vor.u32 $0x280, v4;
	[tilespmem:s3+$0xFFFFFF10] =	vst v18;
	v6 =	vld.idx.msk [tilespmem:v6+s19+$0x0], $0xffff  }
0xf2: {  	v18 =	vor.u32 $0x180, v10;
	v13 =	vld.idx.msk [tilespmem:v13+s19+$0x0], $0xffff;
	[tilespmem:s3+$0xFFFFFF20] =	vst v5  }
0xf3: {  	v5 =	vor.u32 $0x180, v11;
	[tilespmem:s3+$0xFFFFFF30] =	vst v9;
	v7 =	vld.idx.msk [tilespmem:v7+s19+$0x0], $0xffff  }
0xf4: {  	v9 =	vor.u32 $0x180, v12;
	[tilespmem:s3+$0xFFFFFF40] =	vst v19;
	v17 =	vld.idx.msk [tilespmem:v17+s19+$0x0], $0xffff  }
0xf5: {  	v15 =	vld.idx.msk [tilespmem:v15+s19+$0x0], $0xffff;
	[tilespmem:s3+$0x70] =	vst v8;
	v8 =	vor.u32 $0x200, v0  }
0xf6: {  	v19 =	vor.u32 $0x200, v1;
	[tilespmem:s3+$0xFFFFFF50] =	vst v14;
	v16 =	vld.idx.msk [tilespmem:v16+s19+$0x0], $0xffff  }
0xf7: {  	v14 =	vld.idx.msk [tilespmem:v18+s19+$0x0], $0xffff;
	[tilespmem:s3+$0xFFFFFF60] =	vst v6;
	v6 =	vor.u32 $0x300, v4  }
0xf8: {  	v18 =	vor.u32 $0x200, v2;
	[tilespmem:s3+$0xFFFFFF80] =	vst v13;
	v5 =	vld.idx.msk [tilespmem:v5+s19+$0x0], $0xffff  }
0xf9: {  	v13 =	vor.u32 $0x200, v3;
	[tilespmem:s3+$0xFFFFFF90] =	vst v7;
	v7 =	vld.idx.msk [tilespmem:v9+s19+$0x0], $0xffff  }
0xfa: {  	v9 =	vor.u32 $0x200, v10;
	v8 =	vld.idx.msk [tilespmem:v8+s19+$0x0], $0xffff;
	[tilespmem:s3+$0xFFFFFFA0] =	vst v15  }
0xfb: {  	v15 =	vor.u32 $0x200, v11;
	v19 =	vld.idx.msk [tilespmem:v19+s19+$0x0], $0xffff;
	[tilespmem:s3+$0xF0] =	vst v16  }
0xfc: {  	[tilespmem:s3+$0xFFFFFFB0] =	vst v17;
	v16 =	vor.u32 $0x200, v12;
	v6 =	vld.idx.msk [tilespmem:v6+s19+$0x0], $0xffff  }
0xfd: {  	v17 =	vor.u32 $0x280, v0;
	v18 =	vld.idx.msk [tilespmem:v18+s19+$0x0], $0xffff;
	[tilespmem:s3+$0xFFFFFFC0] =	vst v14  }
0xfe: {  	v4 =	vor.u32 $0x380, v4;
	v13 =	vld.idx.msk [tilespmem:v13+s19+$0x0], $0xffff;
	[tilespmem:s3+$0xFFFFFFD0] =	vst v5  }
0xff: {  	v5 =	vor.u32 $0x280, v1;
	v9 =	vld.idx.msk [tilespmem:v9+s19+$0x0], $0xffff;
	[tilespmem:s3+$0xFFFFFFE0] =	vst v7  }
0x100: {  	v7 =	vor.u32 $0x280, v2;
	[tilespmem:s3+$0x0] =	vst v8;
	v8 =	vld.idx.msk [tilespmem:v15+s19+$0x0], $0xffff  }
0x101: {  	v14 =	vor.u32 $0x280, v3;
	[tilespmem:s3+$0x10] =	vst v19;
	v15 =	vld.idx.msk [tilespmem:v16+s19+$0x0], $0xffff  }
0x102: {  	v16 =	vor.u32 $0x280, v10;
	v17 =	vld.idx.msk [tilespmem:v17+s19+$0x0], $0xffff;
	[tilespmem:s3+$0x170] =	vst v6  }
0x103: {  	v6 =	vor.u32 $0x280, v11;
	[tilespmem:s3+$0x20] =	vst v18;
	v4 =	vld.idx.msk [tilespmem:v4+s19+$0x0], $0xffff  }
0x104: {  	v18 =	vor.u32 $0x280, v12;
	v5 =	vld.idx.msk [tilespmem:v5+s19+$0x0], $0xffff;
	[tilespmem:s3+$0x30] =	vst v13  }
0x105: {  	v13 =	vor.u32 $0x300, v0;
	v7 =	vld.idx.msk [tilespmem:v7+s19+$0x0], $0xffff;
	[tilespmem:s3+$0x40] =	vst v9  }
0x106: {  	v9 =	vor.u32 $0x300, v1;
	v19 =	vld.idx.msk [tilespmem:v14+s19+$0x0], $0xffff;
	[tilespmem:s3+$0x50] =	vst v8  }
0x107: {  	v20 =	vor.u32 $0x300, v2;
	v21 =	vld.idx.msk [tilespmem:v16+s19+$0x0], $0xffff;
	[tilespmem:s3+$0x60] =	vst v15  }
0x108: {  	v22 =	vor.u32 $0x300, v3;
	[tilespmem:s3+$0x80] =	vst v17;
	v17 =	vld.idx.msk [tilespmem:v6+s19+$0x0], $0xffff  }
0x109: {  	v23 =	vor.u32 $0x300, v10;
	v15 =	vld.idx.msk [tilespmem:v18+s19+$0x0], $0xffff;
	[tilespmem:s3+$0x1F0] =	vst v4  }
0x10a: {  	v14 =	vld.idx.msk [tilespmem:v13+s19+$0x0], $0xffff;
	[tilespmem:s3+$0x90] =	vst v5  }
0x10b: {  	v13 =	vld.idx.msk [tilespmem:v9+s19+$0x0], $0xffff;
	[tilespmem:s3+$0xA0] =	vst v7  }
0x10c: {  	v8 =	vor.u32 $0x300, v11;
	v6 =	vor.u32 $0x380, v1;
	v1 =	vor.u32 $0x380, v11;
	[tilespmem:s3+$0xB0] =	vst v19;
	v16 =	vld.idx.msk [tilespmem:v20+s19+$0x0], $0xffff  }
0x10d: {  	v5 =	vor.u32 $0x380, v2;
	v4 =	vor.u32 $0x380, v3;
	v2 =	vor.u32 $0x380, v10;
	v3 =	vld.idx.msk [tilespmem:v22+s19+$0x0], $0xffff;
	[tilespmem:s3+$0xC0] =	vst v21  }
0x10e: {  	s9 =	simm.s32 $0x0;
	s8 =	simm.s32 $0x10A00;
	s15 =	simm.s32 $0xC0;
	v7 =	vor.u32 $0x380, v0;
	v9 =	vor.u32 $0x300, v12;
	v0 =	vor.u32 $0x380, v12;
	v10 =	vld.idx.msk [tilespmem:v23+s19+$0x0], $0xffff;
	[tilespmem:s3+$0xD0] =	vst v17  }
.LBB2_5:
0x10f: {  	v11 =	vld [tilespmem:s15+$0x30];
	s9 =	sadd.s32 $0x8, s9;
	[tilespmem:s3+$0xE0] =	vst v15  }
0x110: {  	v12 =	vld [tilespmem:s15+$0xFFFFFFD0];
	p0 =	slt.u32 s9, $0x78;
	[tilespmem:s3+$0x100] =	vst v14  }
0x111: {  	v14 =	vld [tilespmem:s15+$0xFFFFFFE0];
	[tilespmem:s3+$0x110] =	vst v13  }
0x112: {  	v13 =	vld [tilespmem:s15+$0xFFFFFFF0];
	[tilespmem:s3+$0x120] =	vst v16  }
0x113: {  	v15 =	vld [tilespmem:s15+$0x0];
	[tilespmem:s3+$0x130] =	vst v3  }
0x114: {  	v16 =	vld [tilespmem:s15+$0x10];
	v3 =	vshll.u32 v11, $0x3;
	[tilespmem:s3+$0x140] =	vst v10  }
0x115: {  	v11 =	vand.u32 $0x7F, v11;
	v10 =	vshll.u32 v12, $0x3;
	v17 =	vld [tilespmem:s15+$0x20];
	v3 =	vand.u32 $0xFFFFFC00, v3  }
0x116: {  	v18 =	vld [tilespmem:s15+$0xFFFFFFC0];
	v10 =	vand.u32 $0xFFFFFC00, v10;
	v19 =	vshll.u32 v14, $0x3;
	v3 =	vor.u32 v11, v3  }
0x117: {  	v11 =	vand.u32 $0x7F, v12;
	v12 =	vand.u32 $0xFFFFFC00, v19;
	v19 =	vshll.u32 v13, $0x3;
	v8 =	vld.idx.msk [tilespmem:v8+s19+$0x0], $0xffff  }
0x118: {  	v14 =	vand.u32 $0x7F, v14;
	v19 =	vand.u32 $0xFFFFFC00, v19;
	v20 =	vshll.u32 v15, $0x3;
	v9 =	vld.idx.msk [tilespmem:v9+s19+$0x0], $0xffff  }
0x119: {  	v13 =	vand.u32 $0x7F, v13;
	v20 =	vand.u32 $0xFFFFFC00, v20;
	v21 =	vshll.u32 v16, $0x3;
	v7 =	vld.idx.msk [tilespmem:v7+s19+$0x0], $0xffff  }
0x11a: {  	v15 =	vand.u32 $0x7F, v15;
	v21 =	vand.u32 $0xFFFFFC00, v21;
	v22 =	vshll.u32 v17, $0x3;
	v6 =	vld.idx.msk [tilespmem:v6+s19+$0x0], $0xffff  }
0x11b: {  	v23 =	vand.u32 $0x7F, v18;
	v18 =	vshll.u32 v18, $0x3;
	v22 =	vand.u32 $0xFFFFFC00, v22;
	v24 =	vld.idx.msk [tilespmem:v3+s19+$0x0], $0xffff  }
0x11c: {  	v16 =	vand.u32 $0x7F, v16;
	v17 =	vand.u32 $0x7F, v17;
	v18 =	vand.u32 $0xFFFFFC00, v18;
	v5 =	vld.idx.msk [tilespmem:v5+s19+$0x0], $0xffff  }
0x11d: {  	v25 =	vor.u32 v11, v10;
	v10 =	vor.u32 $0x80, v3;
	v23 =	vor.u32 v23, v18;
	v4 =	vld.idx.msk [tilespmem:v4+s19+$0x0], $0xffff;
	[tilespmem:s3+$0x150] =	vst v8  }
0x11e: {  	v26 =	vor.u32 v14, v12;
	v27 =	vor.u32 v13, v19;
	v28 =	vor.u32 v15, v20;
	[tilespmem:s3+$0x160] =	vst v9  }
0x11f: {  	v21 =	vor.u32 v16, v21;
	v22 =	vor.u32 v17, v22;
	v8 =	vor.u32 $0x80, v23;
	[tilespmem:s3+$0x180] =	vst v7;
	v2 =	vld.idx.msk [tilespmem:v2+s19+$0x0], $0xffff  }
0x120: {  	v29 =	vor.u32 $0x80, v27;
	v9 =	vor.u32 $0x80, v26;
	v7 =	vor.u32 $0x80, v25;
	s3 =	sadd.s32 $0x400, s3;
	[tilespmem:s8+$0x190] =	vst v6;
	v1 =	vld.idx.msk [tilespmem:v1+s19+$0x0], $0xffff  }
0x121: {  	v30 =	vor.u32 $0x80, v28;
	v31 =	vor.u32 $0x80, v21;
	v32 =	vor.u32 $0x80, v22;
	[tilespmem:s3+$0xFFFFFE70] =	vst v24;
	v0 =	vld.idx.msk [tilespmem:v0+s19+$0x0], $0xffff  }
0x122: {  	v33 =	vor.u32 $0x100, v25;
	v34 =	vor.u32 $0x100, v26;
	v24 =	vor.u32 $0x100, v23;
	v6 =	vld.idx.msk [tilespmem:v10+s19+$0x0], $0xffff;
	[tilespmem:s8+$0x1A0] =	vst v5  }
0x123: {  	v35 =	vor.u32 $0x100, v27;
	v36 =	vor.u32 $0x100, v28;
	v37 =	vor.u32 $0x100, v21;
	v5 =	vld.idx.msk [tilespmem:v23+s19+$0x0], $0xffff;
	[tilespmem:s8+$0x1B0] =	vst v4  }
0x124: {  	v39 =	vor.u32 $0x100, v22;
	v38 =	vor.u32 $0x180, v23;
	v10 =	vor.u32 $0x100, v3;
	v4 =	vld.idx.msk [tilespmem:v25+s19+$0x0], $0xffff  }
0x125: {  	v40 =	vor.u32 $0x180, v25;
	v41 =	vor.u32 $0x180, v26;
	v42 =	vor.u32 $0x180, v27;
	v11 =	vld.idx.msk [tilespmem:v26+s19+$0x0], $0xffff;
	[tilespmem:s8+$0x1C0] =	vst v2  }
0x126: {  	v43 =	vor.u32 $0x180, v28;
	v44 =	vor.u32 $0x180, v21;
	v45 =	vor.u32 $0x180, v22;
	v2 =	vld.idx.msk [tilespmem:v27+s19+$0x0], $0xffff;
	[tilespmem:s8+$0x1D0] =	vst v1  }
0x127: {  	v47 =	vor.u32 $0x200, v25;
	v48 =	vor.u32 $0x200, v26;
	v46 =	vor.u32 $0x200, v23;
	v1 =	vld.idx.msk [tilespmem:v28+s19+$0x0], $0xffff;
	[tilespmem:s8+$0x1E0] =	vst v0;
	s8 =	smov.u32 s3  }
0x128: {  	v49 =	vor.u32 $0x200, v27;
	v50 =	vor.u32 $0x200, v28;
	v51 =	vor.u32 $0x200, v21;
	v0 =	vld.idx.msk [tilespmem:v21+s19+$0x0], $0xffff;
	[tilespmem:s3+$0xFFFFFEF0] =	vst v6  }
0x129: {  	v18 =	vor.u32 $0x280, v25;
	v53 =	vor.u32 $0x200, v22;
	v52 =	vor.u32 $0x280, v23;
	[tilespmem:s3+$0xFFFFFE00] =	vst v5;
	v54 =	vld.idx.msk [tilespmem:v10+s19+$0x0], $0xffff  }
0x12a: {  	v20 =	vor.u32 $0x280, v26;
	v19 =	vor.u32 $0x280, v27;
	v15 =	vor.u32 $0x280, v28;
	[tilespmem:s3+$0xFFFFFE10] =	vst v4;
	v55 =	vld.idx.msk [tilespmem:v22+s19+$0x0], $0xffff  }
0x12b: {  	v57 =	vor.u32 $0x180, v3;
	v17 =	vor.u32 $0x280, v21;
	v16 =	vor.u32 $0x280, v22;
	v56 =	vld.idx.msk [tilespmem:v8+s19+$0x0], $0xffff;
	[tilespmem:s3+$0xFFFFFE20] =	vst v11  }
0x12c: {  	v13 =	vor.u32 $0x300, v25;
	v14 =	vor.u32 $0x300, v23;
	v10 =	vor.u32 $0x300, v26;
	v58 =	vld.idx.msk [tilespmem:v7+s19+$0x0], $0xffff;
	[tilespmem:s3+$0xFFFFFE30] =	vst v2  }
0x12d: {  	v12 =	vor.u32 $0x300, v27;
	v11 =	vor.u32 $0x300, v28;
	v8 =	vor.u32 $0x300, v21;
	v59 =	vld.idx.msk [tilespmem:v9+s19+$0x0], $0xffff;
	[tilespmem:s3+$0xFFFFFE40] =	vst v1  }
0x12e: {  	v6 =	vor.u32 $0x380, v25;
	v7 =	vor.u32 $0x380, v23;
	v9 =	vor.u32 $0x300, v22;
	v23 =	vld.idx.msk [tilespmem:v29+s19+$0x0], $0xffff;
	[tilespmem:s3+$0xFFFFFE50] =	vst v0  }
0x12f: {  	v5 =	vor.u32 $0x380, v26;
	v4 =	vor.u32 $0x380, v27;
	v2 =	vor.u32 $0x380, v28;
	v25 =	vld.idx.msk [tilespmem:v30+s19+$0x0], $0xffff;
	[tilespmem:s3+$0xFFFFFF70] =	vst v54  }
0x130: {  	v1 =	vor.u32 $0x380, v21;
	v0 =	vor.u32 $0x380, v22;
	[tilespmem:s3+$0xFFFFFE60] =	vst v55;
	v21 =	vld.idx.msk [tilespmem:v57+s19+$0x0], $0xffff  }
0x131: {  	[tilespmem:s3+$0xFFFFFE80] =	vst v56;
	v22 =	vld.idx.msk [tilespmem:v31+s19+$0x0], $0xffff  }
0x132: {  	v27 =	vor.u32 $0x200, v3;
	[tilespmem:s3+$0xFFFFFE90] =	vst v58;
	v26 =	vld.idx.msk [tilespmem:v32+s19+$0x0], $0xffff  }
0x133: {  	v24 =	vld.idx.msk [tilespmem:v24+s19+$0x0], $0xffff;
	[tilespmem:s3+$0xFFFFFEA0] =	vst v59  }
0x134: {  	v28 =	vld.idx.msk [tilespmem:v33+s19+$0x0], $0xffff;
	[tilespmem:s3+$0xFFFFFEB0] =	vst v23  }
0x135: {  	v23 =	vld.idx.msk [tilespmem:v34+s19+$0x0], $0xffff;
	[tilespmem:s3+$0xFFFFFEC0] =	vst v25  }
0x136: {  	v25 =	vld.idx.msk [tilespmem:v35+s19+$0x0], $0xffff;
	[tilespmem:s3+$0xFFFFFFF0] =	vst v21  }
0x137: {  	[tilespmem:s3+$0xFFFFFED0] =	vst v22;
	v21 =	vld.idx.msk [tilespmem:v27+s19+$0x0], $0xffff  }
0x138: {  	v22 =	vld.idx.msk [tilespmem:v36+s19+$0x0], $0xffff;
	[tilespmem:s3+$0xFFFFFEE0] =	vst v26  }
0x139: {  	v26 =	vor.u32 $0x280, v3;
	[tilespmem:s3+$0xFFFFFF00] =	vst v24;
	v24 =	vld.idx.msk [tilespmem:v37+s19+$0x0], $0xffff  }
0x13a: {  	[tilespmem:s3+$0xFFFFFF10] =	vst v28;
	v27 =	vld.idx.msk [tilespmem:v39+s19+$0x0], $0xffff  }
0x13b: {  	v28 =	vld.idx.msk [tilespmem:v38+s19+$0x0], $0xffff;
	[tilespmem:s3+$0xFFFFFF20] =	vst v23  }
0x13c: {  	v23 =	vld.idx.msk [tilespmem:v40+s19+$0x0], $0xffff;
	[tilespmem:s3+$0xFFFFFF30] =	vst v25  }
0x13d: {  	v25 =	vld.idx.msk [tilespmem:v41+s19+$0x0], $0xffff;
	[tilespmem:s3+$0x70] =	vst v21  }
0x13e: {  	[tilespmem:s3+$0xFFFFFF40] =	vst v22;
	v21 =	vld.idx.msk [tilespmem:v26+s19+$0x0], $0xffff  }
0x13f: {  	v22 =	vld.idx.msk [tilespmem:v42+s19+$0x0], $0xffff;
	[tilespmem:s3+$0xFFFFFF50] =	vst v24  }
0x140: {  	v26 =	vor.u32 $0x300, v3;
	v24 =	vld.idx.msk [tilespmem:v43+s19+$0x0], $0xffff;
	[tilespmem:s3+$0xFFFFFF60] =	vst v27  }
0x141: {  	[tilespmem:s3+$0xFFFFFF80] =	vst v28;
	v27 =	vld.idx.msk [tilespmem:v44+s19+$0x0], $0xffff  }
0x142: {  	[tilespmem:s3+$0xFFFFFF90] =	vst v23;
	v23 =	vld.idx.msk [tilespmem:v45+s19+$0x0], $0xffff  }
0x143: {  	v28 =	vld.idx.msk [tilespmem:v46+s19+$0x0], $0xffff;
	[tilespmem:s3+$0xFFFFFFA0] =	vst v25  }
0x144: {  	v25 =	vld.idx.msk [tilespmem:v47+s19+$0x0], $0xffff;
	[tilespmem:s3+$0xF0] =	vst v21  }
0x145: {  	[tilespmem:s3+$0xFFFFFFB0] =	vst v22;
	v21 =	vld.idx.msk [tilespmem:v26+s19+$0x0], $0xffff  }
0x146: {  	v22 =	vld.idx.msk [tilespmem:v48+s19+$0x0], $0xffff;
	[tilespmem:s3+$0xFFFFFFC0] =	vst v24  }
0x147: {  	v3 =	vor.u32 $0x380, v3;
	v24 =	vld.idx.msk [tilespmem:v49+s19+$0x0], $0xffff;
	[tilespmem:s3+$0xFFFFFFD0] =	vst v27  }
0x148: {  	v26 =	vld.idx.msk [tilespmem:v50+s19+$0x0], $0xffff;
	[tilespmem:s3+$0xFFFFFFE0] =	vst v23  }
0x149: {  	[tilespmem:s3+$0x0] =	vst v28;
	v23 =	vld.idx.msk [tilespmem:v51+s19+$0x0], $0xffff  }
0x14a: {  	[tilespmem:s3+$0x10] =	vst v25;
	v25 =	vld.idx.msk [tilespmem:v53+s19+$0x0], $0xffff  }
0x14b: {  	v27 =	vld.idx.msk [tilespmem:v52+s19+$0x0], $0xffff;
	[tilespmem:s3+$0x170] =	vst v21  }
0x14c: {  	[tilespmem:s3+$0x20] =	vst v22;
	v3 =	vld.idx.msk [tilespmem:v3+s19+$0x0], $0xffff  }
0x14d: {  	v18 =	vld.idx.msk [tilespmem:v18+s19+$0x0], $0xffff;
	[tilespmem:s3+$0x30] =	vst v24  }
0x14e: {  	v20 =	vld.idx.msk [tilespmem:v20+s19+$0x0], $0xffff;
	[tilespmem:s3+$0x40] =	vst v26  }
0x14f: {  	v19 =	vld.idx.msk [tilespmem:v19+s19+$0x0], $0xffff;
	[tilespmem:s3+$0x50] =	vst v23  }
0x150: {  	v21 =	vld.idx.msk [tilespmem:v15+s19+$0x0], $0xffff;
	[tilespmem:s3+$0x60] =	vst v25  }
0x151: {  	[tilespmem:s3+$0x80] =	vst v27;
	v17 =	vld.idx.msk [tilespmem:v17+s19+$0x0], $0xffff  }
0x152: {  	v15 =	vld.idx.msk [tilespmem:v16+s19+$0x0], $0xffff;
	[tilespmem:s3+$0x1F0] =	vst v3  }
.Ltmp1:
0x153: {  	v14 =	vld.idx.msk [tilespmem:v14+s19+$0x0], $0xffff;
	[tilespmem:s3+$0x90] =	vst v18;
	(pc) =	sbr.rel @p0 .LBB2_5-.Ltmp1, $4  }
0x154: {  	v13 =	vld.idx.msk [tilespmem:v13+s19+$0x0], $0xffff;
	[tilespmem:s3+$0xA0] =	vst v20  }
0x155: {  	v16 =	vld.idx.msk [tilespmem:v10+s19+$0x0], $0xffff;
	[tilespmem:s3+$0xB0] =	vst v19  }
0x156: {  	v3 =	vld.idx.msk [tilespmem:v12+s19+$0x0], $0xffff;
	[tilespmem:s3+$0xC0] =	vst v21  }
0x157: {  	s15 =	sadd.s32 $0x80, s15;
	v10 =	vld.idx.msk [tilespmem:v11+s19+$0x0], $0xffff;
	[tilespmem:s3+$0xD0] =	vst v17  }
0x158: {  	_ =	sdelay $0x2  }
0x159: {  	[tilespmem:s3+$0xE0] =	vst v15  }
0x15a: {  	[tilespmem:s3+$0x100] =	vst v14;
	v8 =	vld.idx.msk [tilespmem:v8+s19+$0x0], $0xffff  }
0x15b: {  	[tilespmem:s3+$0x110] =	vst v13;
	v9 =	vld.idx.msk [tilespmem:v9+s19+$0x0], $0xffff  }
0x15c: {  	v7 =	vld.idx.msk [tilespmem:v7+s19+$0x0], $0xffff;
	[tilespmem:s3+$0x120] =	vst v16  }
0x15d: {  	v63 =	vld.idx.msk [tilespmem:v6+s19+$0x0], $0xffff;
	[tilespmem:s3+$0x130] =	vst v3  }
0x15e: {  	v5 =	vld.idx.msk [tilespmem:v5+s19+$0x0], $0xffff;
	[tilespmem:s3+$0x140] =	vst v10  }
0x15f: {  	v4 =	vld.idx.msk [tilespmem:v4+s19+$0x0], $0xffff;
	[tilespmem:s3+$0x150] =	vst v8  }
0x160: {  	v2 =	vld.idx.msk [tilespmem:v2+s19+$0x0], $0xffff;
	[tilespmem:s3+$0x160] =	vst v9  }
0x161: {  	[tilespmem:s3+$0x180] =	vst v7;
	v1 =	vld.idx.msk [tilespmem:v1+s19+$0x0], $0xffff  }
0x162: {  	[tilespmem:s8+$0x190] =	vst v63;
	v0 =	vld.idx.msk [tilespmem:v0+s19+$0x0], $0xffff  }
0x163: {  	[tilespmem:s8+$0x1A0] =	vst v5  }
0x164: {  	[tilespmem:s8+$0x1B0] =	vst v4  }
0x165: {  	s16 =	sadd.s32 s1, s12;
	p0 =	seq.s32 s0, $0x14;
	[tilespmem:s8+$0x1C0] =	vst v2  }
0x166: {  	p1 =	seq.s32 @!p0 s0, $0x0;
	s3 =	sshll.u32 s16, $0xB;
	[tilespmem:s8+$0x1D0] =	vst v1  }
0x167: {  	p1 =	por p0, !p1;
	s3 =	sadd.s32 s4, s3;
	[tilespmem:s8+$0x1E0] =	vst v0  }
0x168: {  	[hbm4b:s3+s5] =	stream.linear.scatter [tilespmem:s24], [sflag:$0x5], $0x4000, $0x38;
	[tilespmem:$0x18800] =	vst v63  }
.Ltmp2:
0x169: {  	s3 =	sadd.s32 @!p0 s1, s13;
	(pc) =	sbr.rel @!p1 .LBB2_8-.Ltmp2, $4  }
0x16a: {  	s3 =	sshll.u32 @!p0 s3, $0xB  }
0x16b: {  	s9 =	simm.s32 @!p0 $0x4800;
	s8 =	simm.s32 @!p0 $0x0;
	s3 =	sadd.s32 @!p0 s2, s3  }
0x16c: {  	[tilespmem:s9], [sflag:$0x2] =	stream.linear.gather @!p0 [hbm4b:s3+s8], $0x4000, $0x38;
	[tilespmem:$0x18800] =	vst v63  }
0x16d: {  	s3 =	sadd.s32 @!p0 $0x2, s1  }
0x16e: {  	_ =	swait.ge [sflag:s30], $0x4000  }
0x16f: {  	[sflag:s30] =	ssyncset.done $0x0  }
0x170: {  	s3 =	simm.s32 @p0 $0x3E;
	[sflag:s30] =	ssyncadd.s32 $0xFFFFC000  }
.LBB2_8:
0x171: {  	_ =	swait.ge [sflag:s25], $0x4000  }
0x172: {  	[sflag:s25] =	ssyncset.done $0x0  }
0x173: {  	s8 =	simm.s32 $0x40;
	[sflag:s25] =	ssyncadd.s32 $0xFFFFC000  }
0x174: {  	v0 =	vld [tilespmem:s8+$0x30];
	_ =	sdelay $0x3  }
0x175: {  	v1 =	vld [tilespmem:s8+$0xFFFFFFD0]  }
0x176: {  	v2 =	vshll.u32 v0, $0x3  }
0x177: {  	v3 =	vld [tilespmem:s8+$0xFFFFFFE0];
	v0 =	vand.u32 $0x7F, v0;
	v2 =	vand.u32 $0xFFFFFC00, v2  }
0x178: {  	v5 =	vld [tilespmem:s8+$0xFFFFFFC0];
	v4 =	vor.u32 v0, v2;
	_ =	sdelay $0x1  }
0x179: {  	v2 =	vld [tilespmem:s8+$0xFFFFFFF0];
	v0 =	vshll.u32 v1, $0x3  }
0x17a: {  	v7 =	vld [tilespmem:s8+$0x10];
	v1 =	vand.u32 $0x7F, v1;
	v8 =	vand.u32 $0xFFFFFC00, v0  }
0x17b: {  	v6 =	vld [tilespmem:s8+$0x0];
	v0 =	vshll.u32 v3, $0x3;
	v1 =	vor.u32 v1, v8  }
0x17c: {  	v11 =	vor.u32 $0x80, v4;
	v9 =	vand.u32 $0xFFFFFC00, v0;
	v0 =	vshll.u32 v5, $0x3;
	v10 =	vld.idx.msk [tilespmem:v4+s20+$0x0], $0xffff  }
0x17d: {  	v12 =	vld [tilespmem:s8+$0x20];
	v3 =	vand.u32 $0x7F, v3;
	v5 =	vand.u32 $0x7F, v5;
	v0 =	vand.u32 $0xFFFFFC00, v0  }
0x17e: {  	v0 =	vor.u32 v5, v0;
	v13 =	vshll.u32 v2, $0x3;
	v8 =	vand.u32 $0x7F, v2  }
0x17f: {  	v2 =	vor.u32 v3, v9;
	v9 =	vshll.u32 v7, $0x3;
	v5 =	vand.u32 $0xFFFFFC00, v13  }
0x180: {  	s8 =	simm.s32 $0x14A00;
	v13 =	vshll.u32 v6, $0x3;
	v3 =	vor.u32 v8, v5;
	v5 =	vand.u32 $0xFFFFFC00, v9;
	v9 =	vld.idx.msk [tilespmem:v1+s20+$0x0], $0xffff  }
0x181: {  	v15 =	vor.u32 $0x80, v1;
	v6 =	vand.u32 $0x7F, v6;
	v13 =	vand.u32 $0xFFFFFC00, v13;
	[tilespmem:s8+$0xFFFFFE70] =	vst v10  }
0x182: {  	v7 =	vand.u32 $0x7F, v7;
	v8 =	vshll.u32 v12, $0x3;
	v10 =	vor.u32 v6, v13;
	v6 =	vld.idx.msk [tilespmem:v11+s20+$0x0], $0xffff  }
0x183: {  	v11 =	vor.u32 v7, v5;
	v5 =	vld.idx.msk [tilespmem:v0+s20+$0x0], $0xffff;
	v7 =	vand.u32 $0xFFFFFC00, v8;
	v8 =	vand.u32 $0x7F, v12  }
0x184: {  	v13 =	vor.u32 $0x100, v4;
	v12 =	vor.u32 v8, v7;
	v7 =	vld.idx.msk [tilespmem:v2+s20+$0x0], $0xffff  }
0x185: {  	v8 =	vor.u32 $0x80, v0;
	v14 =	vld.idx.msk [tilespmem:v3+s20+$0x0], $0xffff;
	[tilespmem:s8+$0xFFFFFE10] =	vst v9  }
0x186: {  	v15 =	vld.idx.msk [tilespmem:v15+s20+$0x0], $0xffff  }
0x187: {  	v17 =	vor.u32 $0x80, v2;
	v16 =	vld.idx.msk [tilespmem:v10+s20+$0x0], $0xffff  }
0x188: {  	v18 =	vld.idx.msk [tilespmem:v11+s20+$0x0], $0xffff;
	[tilespmem:s8+$0xFFFFFEF0] =	vst v6;
	v6 =	vor.u32 $0x80, v3  }
0x189: {  	[tilespmem:s8+$0xFFFFFE00] =	vst v5;
	v5 =	vld.idx.msk [tilespmem:v13+s20+$0x0], $0xffff;
	v13 =	vor.u32 $0x80, v10  }
0x18a: {  	v19 =	vor.u32 $0x80, v11;
	v8 =	vld.idx.msk [tilespmem:v8+s20+$0x0], $0xffff;
	[tilespmem:s8+$0xFFFFFE20] =	vst v7  }
0x18b: {  	v9 =	vld.idx.msk [tilespmem:v12+s20+$0x0], $0xffff;
	v7 =	vor.u32 $0x180, v4;
	[tilespmem:s8+$0xFFFFFE30] =	vst v14  }
0x18c: {  	v14 =	vor.u32 $0x80, v12;
	v17 =	vld.idx.msk [tilespmem:v17+s20+$0x0], $0xffff;
	[tilespmem:s8+$0xFFFFFE40] =	vst v16  }
0x18d: {  	v16 =	vor.u32 $0x100, v0;
	v6 =	vld.idx.msk [tilespmem:v6+s20+$0x0], $0xffff;
	[tilespmem:s8+$0xFFFFFE50] =	vst v18  }
0x18e: {  	v18 =	vor.u32 $0x100, v1;
	v13 =	vld.idx.msk [tilespmem:v13+s20+$0x0], $0xffff;
	[tilespmem:s8+$0xFFFFFF70] =	vst v5  }
0x18f: {  	v5 =	vor.u32 $0x100, v2;
	[tilespmem:s8+$0xFFFFFE80] =	vst v8;
	v8 =	vld.idx.msk [tilespmem:v19+s20+$0x0], $0xffff  }
0x190: {  	[tilespmem:s8+$0xFFFFFE60] =	vst v9;
	v9 =	vor.u32 $0x100, v3;
	v7 =	vld.idx.msk [tilespmem:v7+s20+$0x0], $0xffff  }
0x191: {  	[tilespmem:s8+$0xFFFFFE90] =	vst v15;
	v19 =	vor.u32 $0x100, v10;
	v14 =	vld.idx.msk [tilespmem:v14+s20+$0x0], $0xffff  }
0x192: {  	[tilespmem:s8+$0xFFFFFEA0] =	vst v17;
	v17 =	vor.u32 $0x100, v11;
	v16 =	vld.idx.msk [tilespmem:v16+s20+$0x0], $0xffff  }
0x193: {  	v15 =	vor.u32 $0x200, v4;
	v18 =	vld.idx.msk [tilespmem:v18+s20+$0x0], $0xffff;
	[tilespmem:s8+$0xFFFFFEB0] =	vst v6  }
0x194: {  	v6 =	vor.u32 $0x100, v12;
	v5 =	vld.idx.msk [tilespmem:v5+s20+$0x0], $0xffff;
	[tilespmem:s8+$0xFFFFFEC0] =	vst v13  }
0x195: {  	v13 =	vor.u32 $0x180, v0;
	v9 =	vld.idx.msk [tilespmem:v9+s20+$0x0], $0xffff;
	[tilespmem:s8+$0xFFFFFED0] =	vst v8  }
0x196: {  	[tilespmem:s8+$0xFFFFFFF0] =	vst v7;
	v7 =	vor.u32 $0x180, v1;
	v19 =	vld.idx.msk [tilespmem:v19+s20+$0x0], $0xffff  }
0x197: {  	[tilespmem:s8+$0xFFFFFEE0] =	vst v14;
	v14 =	vld.idx.msk [tilespmem:v17+s20+$0x0], $0xffff;
	v17 =	vor.u32 $0x180, v3  }
0x198: {  	v8 =	vld.idx.msk [tilespmem:v15+s20+$0x0], $0xffff;
	v15 =	vor.u32 $0x180, v2;
	[tilespmem:s8+$0xFFFFFF00] =	vst v16  }
0x199: {  	v16 =	vor.u32 $0x280, v4;
	[tilespmem:s8+$0xFFFFFF10] =	vst v18;
	v6 =	vld.idx.msk [tilespmem:v6+s20+$0x0], $0xffff  }
0x19a: {  	v18 =	vor.u32 $0x180, v10;
	v13 =	vld.idx.msk [tilespmem:v13+s20+$0x0], $0xffff;
	[tilespmem:s8+$0xFFFFFF20] =	vst v5  }
0x19b: {  	v5 =	vor.u32 $0x180, v11;
	[tilespmem:s8+$0xFFFFFF30] =	vst v9;
	v7 =	vld.idx.msk [tilespmem:v7+s20+$0x0], $0xffff  }
0x19c: {  	v9 =	vor.u32 $0x180, v12;
	[tilespmem:s8+$0xFFFFFF40] =	vst v19;
	v17 =	vld.idx.msk [tilespmem:v17+s20+$0x0], $0xffff  }
0x19d: {  	v15 =	vld.idx.msk [tilespmem:v15+s20+$0x0], $0xffff;
	[tilespmem:s8+$0x70] =	vst v8;
	v8 =	vor.u32 $0x200, v0  }
0x19e: {  	v19 =	vor.u32 $0x200, v1;
	[tilespmem:s8+$0xFFFFFF50] =	vst v14;
	v16 =	vld.idx.msk [tilespmem:v16+s20+$0x0], $0xffff  }
0x19f: {  	v14 =	vld.idx.msk [tilespmem:v18+s20+$0x0], $0xffff;
	[tilespmem:s8+$0xFFFFFF60] =	vst v6;
	v6 =	vor.u32 $0x300, v4  }
0x1a0: {  	v18 =	vor.u32 $0x200, v2;
	[tilespmem:s8+$0xFFFFFF80] =	vst v13;
	v5 =	vld.idx.msk [tilespmem:v5+s20+$0x0], $0xffff  }
0x1a1: {  	v13 =	vor.u32 $0x200, v3;
	[tilespmem:s8+$0xFFFFFF90] =	vst v7;
	v7 =	vld.idx.msk [tilespmem:v9+s20+$0x0], $0xffff  }
0x1a2: {  	v9 =	vor.u32 $0x200, v10;
	v8 =	vld.idx.msk [tilespmem:v8+s20+$0x0], $0xffff;
	[tilespmem:s8+$0xFFFFFFA0] =	vst v15  }
0x1a3: {  	v15 =	vor.u32 $0x200, v11;
	v19 =	vld.idx.msk [tilespmem:v19+s20+$0x0], $0xffff;
	[tilespmem:s8+$0xF0] =	vst v16  }
0x1a4: {  	[tilespmem:s8+$0xFFFFFFB0] =	vst v17;
	v16 =	vor.u32 $0x200, v12;
	v6 =	vld.idx.msk [tilespmem:v6+s20+$0x0], $0xffff  }
0x1a5: {  	v17 =	vor.u32 $0x280, v0;
	v18 =	vld.idx.msk [tilespmem:v18+s20+$0x0], $0xffff;
	[tilespmem:s8+$0xFFFFFFC0] =	vst v14  }
0x1a6: {  	v4 =	vor.u32 $0x380, v4;
	v13 =	vld.idx.msk [tilespmem:v13+s20+$0x0], $0xffff;
	[tilespmem:s8+$0xFFFFFFD0] =	vst v5  }
0x1a7: {  	v5 =	vor.u32 $0x280, v1;
	v9 =	vld.idx.msk [tilespmem:v9+s20+$0x0], $0xffff;
	[tilespmem:s8+$0xFFFFFFE0] =	vst v7  }
0x1a8: {  	v7 =	vor.u32 $0x280, v2;
	[tilespmem:s8+$0x0] =	vst v8;
	v8 =	vld.idx.msk [tilespmem:v15+s20+$0x0], $0xffff  }
0x1a9: {  	v14 =	vor.u32 $0x280, v3;
	[tilespmem:s8+$0x10] =	vst v19;
	v15 =	vld.idx.msk [tilespmem:v16+s20+$0x0], $0xffff  }
0x1aa: {  	v16 =	vor.u32 $0x280, v10;
	v17 =	vld.idx.msk [tilespmem:v17+s20+$0x0], $0xffff;
	[tilespmem:s8+$0x170] =	vst v6  }
0x1ab: {  	v6 =	vor.u32 $0x280, v11;
	[tilespmem:s8+$0x20] =	vst v18;
	v4 =	vld.idx.msk [tilespmem:v4+s20+$0x0], $0xffff  }
0x1ac: {  	v18 =	vor.u32 $0x280, v12;
	v5 =	vld.idx.msk [tilespmem:v5+s20+$0x0], $0xffff;
	[tilespmem:s8+$0x30] =	vst v13  }
0x1ad: {  	v13 =	vor.u32 $0x300, v0;
	v7 =	vld.idx.msk [tilespmem:v7+s20+$0x0], $0xffff;
	[tilespmem:s8+$0x40] =	vst v9  }
0x1ae: {  	v9 =	vor.u32 $0x300, v1;
	v19 =	vld.idx.msk [tilespmem:v14+s20+$0x0], $0xffff;
	[tilespmem:s8+$0x50] =	vst v8  }
0x1af: {  	v20 =	vor.u32 $0x300, v2;
	v21 =	vld.idx.msk [tilespmem:v16+s20+$0x0], $0xffff;
	[tilespmem:s8+$0x60] =	vst v15  }
0x1b0: {  	v22 =	vor.u32 $0x300, v3;
	[tilespmem:s8+$0x80] =	vst v17;
	v17 =	vld.idx.msk [tilespmem:v6+s20+$0x0], $0xffff  }
0x1b1: {  	v23 =	vor.u32 $0x300, v10;
	v15 =	vld.idx.msk [tilespmem:v18+s20+$0x0], $0xffff;
	[tilespmem:s8+$0x1F0] =	vst v4  }
0x1b2: {  	v14 =	vld.idx.msk [tilespmem:v13+s20+$0x0], $0xffff;
	[tilespmem:s8+$0x90] =	vst v5  }
0x1b3: {  	v13 =	vld.idx.msk [tilespmem:v9+s20+$0x0], $0xffff;
	[tilespmem:s8+$0xA0] =	vst v7  }
0x1b4: {  	v8 =	vor.u32 $0x300, v11;
	v6 =	vor.u32 $0x380, v1;
	v1 =	vor.u32 $0x380, v11;
	[tilespmem:s8+$0xB0] =	vst v19;
	v16 =	vld.idx.msk [tilespmem:v20+s20+$0x0], $0xffff  }
0x1b5: {  	v5 =	vor.u32 $0x380, v2;
	v4 =	vor.u32 $0x380, v3;
	v2 =	vor.u32 $0x380, v10;
	v3 =	vld.idx.msk [tilespmem:v22+s20+$0x0], $0xffff;
	[tilespmem:s8+$0xC0] =	vst v21  }
0x1b6: {  	s15 =	simm.s32 $0x0;
	s16 =	simm.s32 $0xC0;
	s9 =	simm.s32 $0x14A00;
	v7 =	vor.u32 $0x380, v0;
	v9 =	vor.u32 $0x300, v12;
	v0 =	vor.u32 $0x380, v12;
	v10 =	vld.idx.msk [tilespmem:v23+s20+$0x0], $0xffff;
	[tilespmem:s8+$0xD0] =	vst v17  }
.LBB2_9:
0x1b7: {  	v11 =	vld [tilespmem:s16+$0x30];
	s15 =	sadd.s32 $0x8, s15;
	[tilespmem:s8+$0xE0] =	vst v15  }
0x1b8: {  	v12 =	vld [tilespmem:s16+$0xFFFFFFD0];
	p1 =	slt.u32 s15, $0x78;
	[tilespmem:s8+$0x100] =	vst v14  }
0x1b9: {  	v14 =	vld [tilespmem:s16+$0xFFFFFFE0];
	[tilespmem:s8+$0x110] =	vst v13  }
0x1ba: {  	v13 =	vld [tilespmem:s16+$0xFFFFFFF0];
	[tilespmem:s8+$0x120] =	vst v16  }
0x1bb: {  	v15 =	vld [tilespmem:s16+$0x0];
	[tilespmem:s8+$0x130] =	vst v3  }
0x1bc: {  	v16 =	vld [tilespmem:s16+$0x10];
	v3 =	vshll.u32 v11, $0x3;
	[tilespmem:s8+$0x140] =	vst v10  }
0x1bd: {  	v11 =	vand.u32 $0x7F, v11;
	v10 =	vshll.u32 v12, $0x3;
	v17 =	vld [tilespmem:s16+$0x20];
	v3 =	vand.u32 $0xFFFFFC00, v3  }
0x1be: {  	v18 =	vld [tilespmem:s16+$0xFFFFFFC0];
	v10 =	vand.u32 $0xFFFFFC00, v10;
	v19 =	vshll.u32 v14, $0x3;
	v3 =	vor.u32 v11, v3  }
0x1bf: {  	v11 =	vand.u32 $0x7F, v12;
	v12 =	vand.u32 $0xFFFFFC00, v19;
	v19 =	vshll.u32 v13, $0x3;
	v8 =	vld.idx.msk [tilespmem:v8+s20+$0x0], $0xffff  }
0x1c0: {  	v14 =	vand.u32 $0x7F, v14;
	v19 =	vand.u32 $0xFFFFFC00, v19;
	v20 =	vshll.u32 v15, $0x3;
	v9 =	vld.idx.msk [tilespmem:v9+s20+$0x0], $0xffff  }
0x1c1: {  	v13 =	vand.u32 $0x7F, v13;
	v20 =	vand.u32 $0xFFFFFC00, v20;
	v21 =	vshll.u32 v16, $0x3;
	v7 =	vld.idx.msk [tilespmem:v7+s20+$0x0], $0xffff  }
0x1c2: {  	v15 =	vand.u32 $0x7F, v15;
	v21 =	vand.u32 $0xFFFFFC00, v21;
	v22 =	vshll.u32 v17, $0x3;
	v6 =	vld.idx.msk [tilespmem:v6+s20+$0x0], $0xffff  }
0x1c3: {  	v23 =	vand.u32 $0x7F, v18;
	v18 =	vshll.u32 v18, $0x3;
	v22 =	vand.u32 $0xFFFFFC00, v22;
	v24 =	vld.idx.msk [tilespmem:v3+s20+$0x0], $0xffff  }
0x1c4: {  	v16 =	vand.u32 $0x7F, v16;
	v17 =	vand.u32 $0x7F, v17;
	v18 =	vand.u32 $0xFFFFFC00, v18;
	v5 =	vld.idx.msk [tilespmem:v5+s20+$0x0], $0xffff  }
0x1c5: {  	v25 =	vor.u32 v11, v10;
	v10 =	vor.u32 $0x80, v3;
	v23 =	vor.u32 v23, v18;
	v4 =	vld.idx.msk [tilespmem:v4+s20+$0x0], $0xffff;
	[tilespmem:s8+$0x150] =	vst v8  }
0x1c6: {  	v26 =	vor.u32 v14, v12;
	v27 =	vor.u32 v13, v19;
	v28 =	vor.u32 v15, v20;
	[tilespmem:s8+$0x160] =	vst v9  }
0x1c7: {  	v21 =	vor.u32 v16, v21;
	v22 =	vor.u32 v17, v22;
	v8 =	vor.u32 $0x80, v23;
	[tilespmem:s8+$0x180] =	vst v7;
	v2 =	vld.idx.msk [tilespmem:v2+s20+$0x0], $0xffff  }
0x1c8: {  	v29 =	vor.u32 $0x80, v27;
	v9 =	vor.u32 $0x80, v26;
	v7 =	vor.u32 $0x80, v25;
	s8 =	sadd.s32 $0x400, s8;
	[tilespmem:s9+$0x190] =	vst v6;
	v1 =	vld.idx.msk [tilespmem:v1+s20+$0x0], $0xffff  }
0x1c9: {  	v30 =	vor.u32 $0x80, v28;
	v31 =	vor.u32 $0x80, v21;
	v32 =	vor.u32 $0x80, v22;
	[tilespmem:s8+$0xFFFFFE70] =	vst v24;
	v0 =	vld.idx.msk [tilespmem:v0+s20+$0x0], $0xffff  }
0x1ca: {  	v33 =	vor.u32 $0x100, v25;
	v34 =	vor.u32 $0x100, v26;
	v24 =	vor.u32 $0x100, v23;
	v6 =	vld.idx.msk [tilespmem:v10+s20+$0x0], $0xffff;
	[tilespmem:s9+$0x1A0] =	vst v5  }
0x1cb: {  	v35 =	vor.u32 $0x100, v27;
	v36 =	vor.u32 $0x100, v28;
	v37 =	vor.u32 $0x100, v21;
	v5 =	vld.idx.msk [tilespmem:v23+s20+$0x0], $0xffff;
	[tilespmem:s9+$0x1B0] =	vst v4  }
0x1cc: {  	v39 =	vor.u32 $0x100, v22;
	v38 =	vor.u32 $0x180, v23;
	v10 =	vor.u32 $0x100, v3;
	v4 =	vld.idx.msk [tilespmem:v25+s20+$0x0], $0xffff  }
0x1cd: {  	v40 =	vor.u32 $0x180, v25;
	v41 =	vor.u32 $0x180, v26;
	v42 =	vor.u32 $0x180, v27;
	v11 =	vld.idx.msk [tilespmem:v26+s20+$0x0], $0xffff;
	[tilespmem:s9+$0x1C0] =	vst v2  }
0x1ce: {  	v43 =	vor.u32 $0x180, v28;
	v44 =	vor.u32 $0x180, v21;
	v45 =	vor.u32 $0x180, v22;
	v2 =	vld.idx.msk [tilespmem:v27+s20+$0x0], $0xffff;
	[tilespmem:s9+$0x1D0] =	vst v1  }
0x1cf: {  	v47 =	vor.u32 $0x200, v25;
	v48 =	vor.u32 $0x200, v26;
	v46 =	vor.u32 $0x200, v23;
	v1 =	vld.idx.msk [tilespmem:v28+s20+$0x0], $0xffff;
	[tilespmem:s9+$0x1E0] =	vst v0;
	s9 =	smov.u32 s8  }
0x1d0: {  	v49 =	vor.u32 $0x200, v27;
	v50 =	vor.u32 $0x200, v28;
	v51 =	vor.u32 $0x200, v21;
	v0 =	vld.idx.msk [tilespmem:v21+s20+$0x0], $0xffff;
	[tilespmem:s8+$0xFFFFFEF0] =	vst v6  }
0x1d1: {  	v18 =	vor.u32 $0x280, v25;
	v53 =	vor.u32 $0x200, v22;
	v52 =	vor.u32 $0x280, v23;
	[tilespmem:s8+$0xFFFFFE00] =	vst v5;
	v54 =	vld.idx.msk [tilespmem:v10+s20+$0x0], $0xffff  }
0x1d2: {  	v20 =	vor.u32 $0x280, v26;
	v19 =	vor.u32 $0x280, v27;
	v15 =	vor.u32 $0x280, v28;
	[tilespmem:s8+$0xFFFFFE10] =	vst v4;
	v55 =	vld.idx.msk [tilespmem:v22+s20+$0x0], $0xffff  }
0x1d3: {  	v57 =	vor.u32 $0x180, v3;
	v17 =	vor.u32 $0x280, v21;
	v16 =	vor.u32 $0x280, v22;
	v56 =	vld.idx.msk [tilespmem:v8+s20+$0x0], $0xffff;
	[tilespmem:s8+$0xFFFFFE20] =	vst v11  }
0x1d4: {  	v13 =	vor.u32 $0x300, v25;
	v14 =	vor.u32 $0x300, v23;
	v10 =	vor.u32 $0x300, v26;
	v58 =	vld.idx.msk [tilespmem:v7+s20+$0x0], $0xffff;
	[tilespmem:s8+$0xFFFFFE30] =	vst v2  }
0x1d5: {  	v12 =	vor.u32 $0x300, v27;
	v11 =	vor.u32 $0x300, v28;
	v8 =	vor.u32 $0x300, v21;
	v59 =	vld.idx.msk [tilespmem:v9+s20+$0x0], $0xffff;
	[tilespmem:s8+$0xFFFFFE40] =	vst v1  }
0x1d6: {  	v6 =	vor.u32 $0x380, v25;
	v7 =	vor.u32 $0x380, v23;
	v9 =	vor.u32 $0x300, v22;
	v23 =	vld.idx.msk [tilespmem:v29+s20+$0x0], $0xffff;
	[tilespmem:s8+$0xFFFFFE50] =	vst v0  }
0x1d7: {  	v5 =	vor.u32 $0x380, v26;
	v4 =	vor.u32 $0x380, v27;
	v2 =	vor.u32 $0x380, v28;
	v25 =	vld.idx.msk [tilespmem:v30+s20+$0x0], $0xffff;
	[tilespmem:s8+$0xFFFFFF70] =	vst v54  }
0x1d8: {  	v1 =	vor.u32 $0x380, v21;
	v0 =	vor.u32 $0x380, v22;
	[tilespmem:s8+$0xFFFFFE60] =	vst v55;
	v21 =	vld.idx.msk [tilespmem:v57+s20+$0x0], $0xffff  }
0x1d9: {  	[tilespmem:s8+$0xFFFFFE80] =	vst v56;
	v22 =	vld.idx.msk [tilespmem:v31+s20+$0x0], $0xffff  }
0x1da: {  	v27 =	vor.u32 $0x200, v3;
	[tilespmem:s8+$0xFFFFFE90] =	vst v58;
	v26 =	vld.idx.msk [tilespmem:v32+s20+$0x0], $0xffff  }
0x1db: {  	v24 =	vld.idx.msk [tilespmem:v24+s20+$0x0], $0xffff;
	[tilespmem:s8+$0xFFFFFEA0] =	vst v59  }
0x1dc: {  	v28 =	vld.idx.msk [tilespmem:v33+s20+$0x0], $0xffff;
	[tilespmem:s8+$0xFFFFFEB0] =	vst v23  }
0x1dd: {  	v23 =	vld.idx.msk [tilespmem:v34+s20+$0x0], $0xffff;
	[tilespmem:s8+$0xFFFFFEC0] =	vst v25  }
0x1de: {  	v25 =	vld.idx.msk [tilespmem:v35+s20+$0x0], $0xffff;
	[tilespmem:s8+$0xFFFFFFF0] =	vst v21  }
0x1df: {  	[tilespmem:s8+$0xFFFFFED0] =	vst v22;
	v21 =	vld.idx.msk [tilespmem:v27+s20+$0x0], $0xffff  }
0x1e0: {  	v22 =	vld.idx.msk [tilespmem:v36+s20+$0x0], $0xffff;
	[tilespmem:s8+$0xFFFFFEE0] =	vst v26  }
0x1e1: {  	v26 =	vor.u32 $0x280, v3;
	[tilespmem:s8+$0xFFFFFF00] =	vst v24;
	v24 =	vld.idx.msk [tilespmem:v37+s20+$0x0], $0xffff  }
0x1e2: {  	[tilespmem:s8+$0xFFFFFF10] =	vst v28;
	v27 =	vld.idx.msk [tilespmem:v39+s20+$0x0], $0xffff  }
0x1e3: {  	v28 =	vld.idx.msk [tilespmem:v38+s20+$0x0], $0xffff;
	[tilespmem:s8+$0xFFFFFF20] =	vst v23  }
0x1e4: {  	v23 =	vld.idx.msk [tilespmem:v40+s20+$0x0], $0xffff;
	[tilespmem:s8+$0xFFFFFF30] =	vst v25  }
0x1e5: {  	v25 =	vld.idx.msk [tilespmem:v41+s20+$0x0], $0xffff;
	[tilespmem:s8+$0x70] =	vst v21  }
0x1e6: {  	[tilespmem:s8+$0xFFFFFF40] =	vst v22;
	v21 =	vld.idx.msk [tilespmem:v26+s20+$0x0], $0xffff  }
0x1e7: {  	v22 =	vld.idx.msk [tilespmem:v42+s20+$0x0], $0xffff;
	[tilespmem:s8+$0xFFFFFF50] =	vst v24  }
0x1e8: {  	v26 =	vor.u32 $0x300, v3;
	v24 =	vld.idx.msk [tilespmem:v43+s20+$0x0], $0xffff;
	[tilespmem:s8+$0xFFFFFF60] =	vst v27  }
0x1e9: {  	[tilespmem:s8+$0xFFFFFF80] =	vst v28;
	v27 =	vld.idx.msk [tilespmem:v44+s20+$0x0], $0xffff  }
0x1ea: {  	[tilespmem:s8+$0xFFFFFF90] =	vst v23;
	v23 =	vld.idx.msk [tilespmem:v45+s20+$0x0], $0xffff  }
0x1eb: {  	v28 =	vld.idx.msk [tilespmem:v46+s20+$0x0], $0xffff;
	[tilespmem:s8+$0xFFFFFFA0] =	vst v25  }
0x1ec: {  	v25 =	vld.idx.msk [tilespmem:v47+s20+$0x0], $0xffff;
	[tilespmem:s8+$0xF0] =	vst v21  }
0x1ed: {  	[tilespmem:s8+$0xFFFFFFB0] =	vst v22;
	v21 =	vld.idx.msk [tilespmem:v26+s20+$0x0], $0xffff  }
0x1ee: {  	v22 =	vld.idx.msk [tilespmem:v48+s20+$0x0], $0xffff;
	[tilespmem:s8+$0xFFFFFFC0] =	vst v24  }
0x1ef: {  	v3 =	vor.u32 $0x380, v3;
	v24 =	vld.idx.msk [tilespmem:v49+s20+$0x0], $0xffff;
	[tilespmem:s8+$0xFFFFFFD0] =	vst v27  }
0x1f0: {  	v26 =	vld.idx.msk [tilespmem:v50+s20+$0x0], $0xffff;
	[tilespmem:s8+$0xFFFFFFE0] =	vst v23  }
0x1f1: {  	[tilespmem:s8+$0x0] =	vst v28;
	v23 =	vld.idx.msk [tilespmem:v51+s20+$0x0], $0xffff  }
0x1f2: {  	[tilespmem:s8+$0x10] =	vst v25;
	v25 =	vld.idx.msk [tilespmem:v53+s20+$0x0], $0xffff  }
0x1f3: {  	v27 =	vld.idx.msk [tilespmem:v52+s20+$0x0], $0xffff;
	[tilespmem:s8+$0x170] =	vst v21  }
0x1f4: {  	[tilespmem:s8+$0x20] =	vst v22;
	v3 =	vld.idx.msk [tilespmem:v3+s20+$0x0], $0xffff  }
0x1f5: {  	v18 =	vld.idx.msk [tilespmem:v18+s20+$0x0], $0xffff;
	[tilespmem:s8+$0x30] =	vst v24  }
0x1f6: {  	v20 =	vld.idx.msk [tilespmem:v20+s20+$0x0], $0xffff;
	[tilespmem:s8+$0x40] =	vst v26  }
0x1f7: {  	v19 =	vld.idx.msk [tilespmem:v19+s20+$0x0], $0xffff;
	[tilespmem:s8+$0x50] =	vst v23  }
0x1f8: {  	v21 =	vld.idx.msk [tilespmem:v15+s20+$0x0], $0xffff;
	[tilespmem:s8+$0x60] =	vst v25  }
0x1f9: {  	[tilespmem:s8+$0x80] =	vst v27;
	v17 =	vld.idx.msk [tilespmem:v17+s20+$0x0], $0xffff  }
0x1fa: {  	v15 =	vld.idx.msk [tilespmem:v16+s20+$0x0], $0xffff;
	[tilespmem:s8+$0x1F0] =	vst v3  }
.Ltmp3:
0x1fb: {  	v14 =	vld.idx.msk [tilespmem:v14+s20+$0x0], $0xffff;
	[tilespmem:s8+$0x90] =	vst v18;
	(pc) =	sbr.rel @p1 .LBB2_9-.Ltmp3, $4  }
0x1fc: {  	v13 =	vld.idx.msk [tilespmem:v13+s20+$0x0], $0xffff;
	[tilespmem:s8+$0xA0] =	vst v20  }
0x1fd: {  	v16 =	vld.idx.msk [tilespmem:v10+s20+$0x0], $0xffff;
	[tilespmem:s8+$0xB0] =	vst v19  }
0x1fe: {  	v3 =	vld.idx.msk [tilespmem:v12+s20+$0x0], $0xffff;
	[tilespmem:s8+$0xC0] =	vst v21  }
0x1ff: {  	s16 =	sadd.s32 $0x80, s16;
	v10 =	vld.idx.msk [tilespmem:v11+s20+$0x0], $0xffff;
	[tilespmem:s8+$0xD0] =	vst v17  }
0x200: {  	_ =	sdelay $0x2  }
0x201: {  	[tilespmem:s8+$0xE0] =	vst v15  }
0x202: {  	[tilespmem:s8+$0x100] =	vst v14;
	v8 =	vld.idx.msk [tilespmem:v8+s20+$0x0], $0xffff  }
0x203: {  	[tilespmem:s8+$0x110] =	vst v13;
	v9 =	vld.idx.msk [tilespmem:v9+s20+$0x0], $0xffff  }
0x204: {  	v7 =	vld.idx.msk [tilespmem:v7+s20+$0x0], $0xffff;
	[tilespmem:s8+$0x120] =	vst v16  }
0x205: {  	v63 =	vld.idx.msk [tilespmem:v6+s20+$0x0], $0xffff;
	[tilespmem:s8+$0x130] =	vst v3  }
0x206: {  	v5 =	vld.idx.msk [tilespmem:v5+s20+$0x0], $0xffff;
	[tilespmem:s8+$0x140] =	vst v10  }
0x207: {  	v4 =	vld.idx.msk [tilespmem:v4+s20+$0x0], $0xffff;
	[tilespmem:s8+$0x150] =	vst v8  }
0x208: {  	v2 =	vld.idx.msk [tilespmem:v2+s20+$0x0], $0xffff;
	[tilespmem:s8+$0x160] =	vst v9  }
0x209: {  	[tilespmem:s8+$0x180] =	vst v7;
	v1 =	vld.idx.msk [tilespmem:v1+s20+$0x0], $0xffff  }
0x20a: {  	[tilespmem:s9+$0x190] =	vst v63;
	v0 =	vld.idx.msk [tilespmem:v0+s20+$0x0], $0xffff  }
0x20b: {  	[tilespmem:s9+$0x1A0] =	vst v5  }
.Ltmp4:
0x20c: {  	s3 =	sadd.s32 s10, s3;
	[tilespmem:s9+$0x1B0] =	vst v4;
	(pc) =	sbr.rel @p0 .LBB2_12-.Ltmp4, $4  }
0x20d: {  	s3 =	sshll.u32 s3, $0xB;
	[tilespmem:s9+$0x1C0] =	vst v2  }
0x20e: {  	s3 =	sand.u32 $0x1FFFF800, s3;
	[tilespmem:s9+$0x1D0] =	vst v1  }
0x20f: {  	s3 =	sadd.s32 s4, s3;
	[tilespmem:s9+$0x1E0] =	vst v0  }
0x210: {  	[hbm4b:s3+s5] =	stream.linear.scatter [tilespmem:s26], [sflag:$0x6], $0x4000, $0x38;
	[tilespmem:$0x18800] =	vst v63  }
.Ltmp5:
0x211: {  	(pc) =	sbr.rel .LBB2_2-.Ltmp5, $4  }
0x212: {  	s1 =	sadd.s32 s1, s14  }
0x213: {  	s1 =	sshll.u32 s1, $0xB  }
0x214: {  	s0 =	sadd.s32 $0x1, s0;
	s1 =	sadd.s32 s2, s1  }
0x215: {  	[tilespmem:s20], [sflag:$0x3] =	stream.linear.gather [hbm4b:s1+s5], $0x4000, $0x38;
	[tilespmem:$0x18800] =	vst v63  }
.LBB2_12:
0x216: {  	_ =	swait.ge [sflag:s28], $0x4000  }
0x217: {  	[sflag:s28] =	ssyncset.done $0x0  }
0x218: {  	[sflag:s28] =	ssyncadd.s32 $0xFFFFC000  }
0x219: {  	_ =	swait.ge [sflag:s21], $0x4000  }
0x21a: {  	[sflag:s21] =	ssyncset.done $0x0  }
0x21b: {  	s0 =	simm.s32 $0x40;
	[sflag:s21] =	ssyncadd.s32 $0xFFFFC000  }
0x21c: {  	v0 =	vld [tilespmem:s0+$0x30];
	_ =	sdelay $0x3  }
0x21d: {  	v1 =	vld [tilespmem:s0+$0xFFFFFFD0]  }
0x21e: {  	v2 =	vshll.u32 v0, $0x3  }
0x21f: {  	v3 =	vld [tilespmem:s0+$0xFFFFFFE0];
	v0 =	vand.u32 $0x7F, v0;
	v2 =	vand.u32 $0xFFFFFC00, v2  }
0x220: {  	v5 =	vld [tilespmem:s0+$0xFFFFFFC0];
	v4 =	vor.u32 v0, v2;
	_ =	sdelay $0x1  }
0x221: {  	v2 =	vld [tilespmem:s0+$0xFFFFFFF0];
	v0 =	vshll.u32 v1, $0x3  }
0x222: {  	v7 =	vld [tilespmem:s0+$0x10];
	v1 =	vand.u32 $0x7F, v1;
	v8 =	vand.u32 $0xFFFFFC00, v0  }
0x223: {  	v6 =	vld [tilespmem:s0+$0x0];
	v0 =	vshll.u32 v3, $0x3;
	v1 =	vor.u32 v1, v8  }
0x224: {  	v11 =	vor.u32 $0x80, v4;
	v9 =	vand.u32 $0xFFFFFC00, v0;
	v0 =	vshll.u32 v5, $0x3;
	v10 =	vld.idx.msk [tilespmem:v4+s18+$0x0], $0xffff  }
0x225: {  	v12 =	vld [tilespmem:s0+$0x20];
	v3 =	vand.u32 $0x7F, v3;
	v5 =	vand.u32 $0x7F, v5;
	v0 =	vand.u32 $0xFFFFFC00, v0  }
0x226: {  	v0 =	vor.u32 v5, v0;
	v13 =	vshll.u32 v2, $0x3;
	v8 =	vand.u32 $0x7F, v2  }
0x227: {  	v2 =	vor.u32 v3, v9;
	v9 =	vshll.u32 v7, $0x3;
	v5 =	vand.u32 $0xFFFFFC00, v13  }
0x228: {  	s0 =	simm.s32 $0xCA00;
	v13 =	vshll.u32 v6, $0x3;
	v3 =	vor.u32 v8, v5;
	v5 =	vand.u32 $0xFFFFFC00, v9;
	v9 =	vld.idx.msk [tilespmem:v1+s18+$0x0], $0xffff  }
0x229: {  	v15 =	vor.u32 $0x80, v1;
	v6 =	vand.u32 $0x7F, v6;
	v13 =	vand.u32 $0xFFFFFC00, v13;
	[tilespmem:s0+$0xFFFFFE70] =	vst v10  }
0x22a: {  	v7 =	vand.u32 $0x7F, v7;
	v8 =	vshll.u32 v12, $0x3;
	v10 =	vor.u32 v6, v13;
	v6 =	vld.idx.msk [tilespmem:v11+s18+$0x0], $0xffff  }
0x22b: {  	v11 =	vor.u32 v7, v5;
	v5 =	vld.idx.msk [tilespmem:v0+s18+$0x0], $0xffff;
	v7 =	vand.u32 $0xFFFFFC00, v8;
	v8 =	vand.u32 $0x7F, v12  }
0x22c: {  	v13 =	vor.u32 $0x100, v4;
	v12 =	vor.u32 v8, v7;
	v7 =	vld.idx.msk [tilespmem:v2+s18+$0x0], $0xffff  }
0x22d: {  	v8 =	vor.u32 $0x80, v0;
	v14 =	vld.idx.msk [tilespmem:v3+s18+$0x0], $0xffff;
	[tilespmem:s0+$0xFFFFFE10] =	vst v9  }
0x22e: {  	v15 =	vld.idx.msk [tilespmem:v15+s18+$0x0], $0xffff  }
0x22f: {  	v17 =	vor.u32 $0x80, v2;
	v16 =	vld.idx.msk [tilespmem:v10+s18+$0x0], $0xffff  }
0x230: {  	v18 =	vld.idx.msk [tilespmem:v11+s18+$0x0], $0xffff;
	[tilespmem:s0+$0xFFFFFEF0] =	vst v6;
	v6 =	vor.u32 $0x80, v3  }
0x231: {  	[tilespmem:s0+$0xFFFFFE00] =	vst v5;
	v5 =	vld.idx.msk [tilespmem:v13+s18+$0x0], $0xffff;
	v13 =	vor.u32 $0x80, v10  }
0x232: {  	v19 =	vor.u32 $0x80, v11;
	v8 =	vld.idx.msk [tilespmem:v8+s18+$0x0], $0xffff;
	[tilespmem:s0+$0xFFFFFE20] =	vst v7  }
0x233: {  	v9 =	vld.idx.msk [tilespmem:v12+s18+$0x0], $0xffff;
	v7 =	vor.u32 $0x180, v4;
	[tilespmem:s0+$0xFFFFFE30] =	vst v14  }
0x234: {  	v14 =	vor.u32 $0x80, v12;
	v17 =	vld.idx.msk [tilespmem:v17+s18+$0x0], $0xffff;
	[tilespmem:s0+$0xFFFFFE40] =	vst v16  }
0x235: {  	v16 =	vor.u32 $0x100, v0;
	v6 =	vld.idx.msk [tilespmem:v6+s18+$0x0], $0xffff;
	[tilespmem:s0+$0xFFFFFE50] =	vst v18  }
0x236: {  	v18 =	vor.u32 $0x100, v1;
	v13 =	vld.idx.msk [tilespmem:v13+s18+$0x0], $0xffff;
	[tilespmem:s0+$0xFFFFFF70] =	vst v5  }
0x237: {  	v5 =	vor.u32 $0x100, v2;
	[tilespmem:s0+$0xFFFFFE80] =	vst v8;
	v8 =	vld.idx.msk [tilespmem:v19+s18+$0x0], $0xffff  }
0x238: {  	[tilespmem:s0+$0xFFFFFE60] =	vst v9;
	v9 =	vor.u32 $0x100, v3;
	v7 =	vld.idx.msk [tilespmem:v7+s18+$0x0], $0xffff  }
0x239: {  	[tilespmem:s0+$0xFFFFFE90] =	vst v15;
	v19 =	vor.u32 $0x100, v10;
	v14 =	vld.idx.msk [tilespmem:v14+s18+$0x0], $0xffff  }
0x23a: {  	[tilespmem:s0+$0xFFFFFEA0] =	vst v17;
	v17 =	vor.u32 $0x100, v11;
	v16 =	vld.idx.msk [tilespmem:v16+s18+$0x0], $0xffff  }
0x23b: {  	v15 =	vor.u32 $0x200, v4;
	v18 =	vld.idx.msk [tilespmem:v18+s18+$0x0], $0xffff;
	[tilespmem:s0+$0xFFFFFEB0] =	vst v6  }
0x23c: {  	v6 =	vor.u32 $0x100, v12;
	v5 =	vld.idx.msk [tilespmem:v5+s18+$0x0], $0xffff;
	[tilespmem:s0+$0xFFFFFEC0] =	vst v13  }
0x23d: {  	v13 =	vor.u32 $0x180, v0;
	v9 =	vld.idx.msk [tilespmem:v9+s18+$0x0], $0xffff;
	[tilespmem:s0+$0xFFFFFED0] =	vst v8  }
0x23e: {  	[tilespmem:s0+$0xFFFFFFF0] =	vst v7;
	v7 =	vor.u32 $0x180, v1;
	v19 =	vld.idx.msk [tilespmem:v19+s18+$0x0], $0xffff  }
0x23f: {  	[tilespmem:s0+$0xFFFFFEE0] =	vst v14;
	v14 =	vld.idx.msk [tilespmem:v17+s18+$0x0], $0xffff;
	v17 =	vor.u32 $0x180, v3  }
0x240: {  	v8 =	vld.idx.msk [tilespmem:v15+s18+$0x0], $0xffff;
	v15 =	vor.u32 $0x180, v2;
	[tilespmem:s0+$0xFFFFFF00] =	vst v16  }
0x241: {  	v16 =	vor.u32 $0x280, v4;
	[tilespmem:s0+$0xFFFFFF10] =	vst v18;
	v6 =	vld.idx.msk [tilespmem:v6+s18+$0x0], $0xffff  }
0x242: {  	v18 =	vor.u32 $0x180, v10;
	v13 =	vld.idx.msk [tilespmem:v13+s18+$0x0], $0xffff;
	[tilespmem:s0+$0xFFFFFF20] =	vst v5  }
0x243: {  	v5 =	vor.u32 $0x180, v11;
	[tilespmem:s0+$0xFFFFFF30] =	vst v9;
	v7 =	vld.idx.msk [tilespmem:v7+s18+$0x0], $0xffff  }
0x244: {  	v9 =	vor.u32 $0x180, v12;
	[tilespmem:s0+$0xFFFFFF40] =	vst v19;
	v17 =	vld.idx.msk [tilespmem:v17+s18+$0x0], $0xffff  }
0x245: {  	v15 =	vld.idx.msk [tilespmem:v15+s18+$0x0], $0xffff;
	[tilespmem:s0+$0x70] =	vst v8;
	v8 =	vor.u32 $0x200, v0  }
0x246: {  	v19 =	vor.u32 $0x200, v1;
	[tilespmem:s0+$0xFFFFFF50] =	vst v14;
	v16 =	vld.idx.msk [tilespmem:v16+s18+$0x0], $0xffff  }
0x247: {  	v14 =	vld.idx.msk [tilespmem:v18+s18+$0x0], $0xffff;
	[tilespmem:s0+$0xFFFFFF60] =	vst v6;
	v6 =	vor.u32 $0x300, v4  }
0x248: {  	v18 =	vor.u32 $0x200, v2;
	[tilespmem:s0+$0xFFFFFF80] =	vst v13;
	v5 =	vld.idx.msk [tilespmem:v5+s18+$0x0], $0xffff  }
0x249: {  	v13 =	vor.u32 $0x200, v3;
	[tilespmem:s0+$0xFFFFFF90] =	vst v7;
	v7 =	vld.idx.msk [tilespmem:v9+s18+$0x0], $0xffff  }
0x24a: {  	v9 =	vor.u32 $0x200, v10;
	v8 =	vld.idx.msk [tilespmem:v8+s18+$0x0], $0xffff;
	[tilespmem:s0+$0xFFFFFFA0] =	vst v15  }
0x24b: {  	v15 =	vor.u32 $0x200, v11;
	v19 =	vld.idx.msk [tilespmem:v19+s18+$0x0], $0xffff;
	[tilespmem:s0+$0xF0] =	vst v16  }
0x24c: {  	[tilespmem:s0+$0xFFFFFFB0] =	vst v17;
	v16 =	vor.u32 $0x200, v12;
	v6 =	vld.idx.msk [tilespmem:v6+s18+$0x0], $0xffff  }
0x24d: {  	v17 =	vor.u32 $0x280, v0;
	v18 =	vld.idx.msk [tilespmem:v18+s18+$0x0], $0xffff;
	[tilespmem:s0+$0xFFFFFFC0] =	vst v14  }
0x24e: {  	v4 =	vor.u32 $0x380, v4;
	v13 =	vld.idx.msk [tilespmem:v13+s18+$0x0], $0xffff;
	[tilespmem:s0+$0xFFFFFFD0] =	vst v5  }
0x24f: {  	v5 =	vor.u32 $0x280, v1;
	v9 =	vld.idx.msk [tilespmem:v9+s18+$0x0], $0xffff;
	[tilespmem:s0+$0xFFFFFFE0] =	vst v7  }
0x250: {  	v7 =	vor.u32 $0x280, v2;
	[tilespmem:s0+$0x0] =	vst v8;
	v8 =	vld.idx.msk [tilespmem:v15+s18+$0x0], $0xffff  }
0x251: {  	v14 =	vor.u32 $0x280, v3;
	[tilespmem:s0+$0x10] =	vst v19;
	v15 =	vld.idx.msk [tilespmem:v16+s18+$0x0], $0xffff  }
0x252: {  	v16 =	vor.u32 $0x280, v10;
	v17 =	vld.idx.msk [tilespmem:v17+s18+$0x0], $0xffff;
	[tilespmem:s0+$0x170] =	vst v6  }
0x253: {  	v6 =	vor.u32 $0x280, v11;
	[tilespmem:s0+$0x20] =	vst v18;
	v4 =	vld.idx.msk [tilespmem:v4+s18+$0x0], $0xffff  }
0x254: {  	v18 =	vor.u32 $0x280, v12;
	v5 =	vld.idx.msk [tilespmem:v5+s18+$0x0], $0xffff;
	[tilespmem:s0+$0x30] =	vst v13  }
0x255: {  	v13 =	vor.u32 $0x300, v0;
	v7 =	vld.idx.msk [tilespmem:v7+s18+$0x0], $0xffff;
	[tilespmem:s0+$0x40] =	vst v9  }
0x256: {  	v9 =	vor.u32 $0x300, v1;
	v19 =	vld.idx.msk [tilespmem:v14+s18+$0x0], $0xffff;
	[tilespmem:s0+$0x50] =	vst v8  }
0x257: {  	v20 =	vor.u32 $0x300, v2;
	v21 =	vld.idx.msk [tilespmem:v16+s18+$0x0], $0xffff;
	[tilespmem:s0+$0x60] =	vst v15  }
0x258: {  	v22 =	vor.u32 $0x300, v3;
	[tilespmem:s0+$0x80] =	vst v17;
	v17 =	vld.idx.msk [tilespmem:v6+s18+$0x0], $0xffff  }
0x259: {  	v23 =	vor.u32 $0x300, v10;
	v15 =	vld.idx.msk [tilespmem:v18+s18+$0x0], $0xffff;
	[tilespmem:s0+$0x1F0] =	vst v4  }
0x25a: {  	v14 =	vld.idx.msk [tilespmem:v13+s18+$0x0], $0xffff;
	[tilespmem:s0+$0x90] =	vst v5  }
0x25b: {  	v13 =	vld.idx.msk [tilespmem:v9+s18+$0x0], $0xffff;
	[tilespmem:s0+$0xA0] =	vst v7  }
0x25c: {  	v8 =	vor.u32 $0x300, v11;
	v6 =	vor.u32 $0x380, v1;
	v1 =	vor.u32 $0x380, v11;
	[tilespmem:s0+$0xB0] =	vst v19;
	v16 =	vld.idx.msk [tilespmem:v20+s18+$0x0], $0xffff  }
0x25d: {  	v5 =	vor.u32 $0x380, v2;
	v4 =	vor.u32 $0x380, v3;
	v2 =	vor.u32 $0x380, v10;
	v3 =	vld.idx.msk [tilespmem:v22+s18+$0x0], $0xffff;
	[tilespmem:s0+$0xC0] =	vst v21  }
0x25e: {  	s3 =	simm.s32 $0x0;
	s8 =	simm.s32 $0xC0;
	s1 =	simm.s32 $0xCA00;
	v7 =	vor.u32 $0x380, v0;
	v9 =	vor.u32 $0x300, v12;
	v0 =	vor.u32 $0x380, v12;
	v10 =	vld.idx.msk [tilespmem:v23+s18+$0x0], $0xffff;
	[tilespmem:s0+$0xD0] =	vst v17  }
.LBB2_13:
0x25f: {  	v11 =	vld [tilespmem:s8+$0x30];
	s3 =	sadd.s32 $0x8, s3;
	[tilespmem:s0+$0xE0] =	vst v15  }
0x260: {  	v12 =	vld [tilespmem:s8+$0xFFFFFFD0];
	p0 =	slt.u32 s3, $0x78;
	[tilespmem:s0+$0x100] =	vst v14  }
0x261: {  	v14 =	vld [tilespmem:s8+$0xFFFFFFE0];
	[tilespmem:s0+$0x110] =	vst v13  }
0x262: {  	v13 =	vld [tilespmem:s8+$0xFFFFFFF0];
	[tilespmem:s0+$0x120] =	vst v16  }
0x263: {  	v15 =	vld [tilespmem:s8+$0x0];
	[tilespmem:s0+$0x130] =	vst v3  }
0x264: {  	v16 =	vld [tilespmem:s8+$0x10];
	v3 =	vshll.u32 v11, $0x3;
	[tilespmem:s0+$0x140] =	vst v10  }
0x265: {  	v11 =	vand.u32 $0x7F, v11;
	v10 =	vshll.u32 v12, $0x3;
	v17 =	vld [tilespmem:s8+$0x20];
	v3 =	vand.u32 $0xFFFFFC00, v3  }
0x266: {  	v18 =	vld [tilespmem:s8+$0xFFFFFFC0];
	v10 =	vand.u32 $0xFFFFFC00, v10;
	v19 =	vshll.u32 v14, $0x3;
	v3 =	vor.u32 v11, v3  }
0x267: {  	v11 =	vand.u32 $0x7F, v12;
	v12 =	vand.u32 $0xFFFFFC00, v19;
	v19 =	vshll.u32 v13, $0x3;
	v8 =	vld.idx.msk [tilespmem:v8+s18+$0x0], $0xffff  }
0x268: {  	v14 =	vand.u32 $0x7F, v14;
	v19 =	vand.u32 $0xFFFFFC00, v19;
	v20 =	vshll.u32 v15, $0x3;
	v9 =	vld.idx.msk [tilespmem:v9+s18+$0x0], $0xffff  }
0x269: {  	v13 =	vand.u32 $0x7F, v13;
	v20 =	vand.u32 $0xFFFFFC00, v20;
	v21 =	vshll.u32 v16, $0x3;
	v7 =	vld.idx.msk [tilespmem:v7+s18+$0x0], $0xffff  }
0x26a: {  	v15 =	vand.u32 $0x7F, v15;
	v21 =	vand.u32 $0xFFFFFC00, v21;
	v22 =	vshll.u32 v17, $0x3;
	v6 =	vld.idx.msk [tilespmem:v6+s18+$0x0], $0xffff  }
0x26b: {  	v23 =	vand.u32 $0x7F, v18;
	v18 =	vshll.u32 v18, $0x3;
	v22 =	vand.u32 $0xFFFFFC00, v22;
	v24 =	vld.idx.msk [tilespmem:v3+s18+$0x0], $0xffff  }
0x26c: {  	v16 =	vand.u32 $0x7F, v16;
	v17 =	vand.u32 $0x7F, v17;
	v18 =	vand.u32 $0xFFFFFC00, v18;
	v5 =	vld.idx.msk [tilespmem:v5+s18+$0x0], $0xffff  }
0x26d: {  	v25 =	vor.u32 v11, v10;
	v10 =	vor.u32 $0x80, v3;
	v23 =	vor.u32 v23, v18;
	v4 =	vld.idx.msk [tilespmem:v4+s18+$0x0], $0xffff;
	[tilespmem:s0+$0x150] =	vst v8  }
0x26e: {  	v26 =	vor.u32 v14, v12;
	v27 =	vor.u32 v13, v19;
	v28 =	vor.u32 v15, v20;
	[tilespmem:s0+$0x160] =	vst v9  }
0x26f: {  	v21 =	vor.u32 v16, v21;
	v22 =	vor.u32 v17, v22;
	v8 =	vor.u32 $0x80, v23;
	[tilespmem:s0+$0x180] =	vst v7;
	v2 =	vld.idx.msk [tilespmem:v2+s18+$0x0], $0xffff  }
0x270: {  	v29 =	vor.u32 $0x80, v27;
	v9 =	vor.u32 $0x80, v26;
	v7 =	vor.u32 $0x80, v25;
	s0 =	sadd.s32 $0x400, s0;
	[tilespmem:s1+$0x190] =	vst v6;
	v1 =	vld.idx.msk [tilespmem:v1+s18+$0x0], $0xffff  }
0x271: {  	v30 =	vor.u32 $0x80, v28;
	v31 =	vor.u32 $0x80, v21;
	v32 =	vor.u32 $0x80, v22;
	[tilespmem:s0+$0xFFFFFE70] =	vst v24;
	v0 =	vld.idx.msk [tilespmem:v0+s18+$0x0], $0xffff  }
0x272: {  	v33 =	vor.u32 $0x100, v25;
	v34 =	vor.u32 $0x100, v26;
	v24 =	vor.u32 $0x100, v23;
	v6 =	vld.idx.msk [tilespmem:v10+s18+$0x0], $0xffff;
	[tilespmem:s1+$0x1A0] =	vst v5  }
0x273: {  	v35 =	vor.u32 $0x100, v27;
	v36 =	vor.u32 $0x100, v28;
	v37 =	vor.u32 $0x100, v21;
	v5 =	vld.idx.msk [tilespmem:v23+s18+$0x0], $0xffff;
	[tilespmem:s1+$0x1B0] =	vst v4  }
0x274: {  	v39 =	vor.u32 $0x100, v22;
	v38 =	vor.u32 $0x180, v23;
	v10 =	vor.u32 $0x100, v3;
	v4 =	vld.idx.msk [tilespmem:v25+s18+$0x0], $0xffff  }
0x275: {  	v40 =	vor.u32 $0x180, v25;
	v41 =	vor.u32 $0x180, v26;
	v42 =	vor.u32 $0x180, v27;
	v11 =	vld.idx.msk [tilespmem:v26+s18+$0x0], $0xffff;
	[tilespmem:s1+$0x1C0] =	vst v2  }
0x276: {  	v43 =	vor.u32 $0x180, v28;
	v44 =	vor.u32 $0x180, v21;
	v45 =	vor.u32 $0x180, v22;
	v2 =	vld.idx.msk [tilespmem:v27+s18+$0x0], $0xffff;
	[tilespmem:s1+$0x1D0] =	vst v1  }
0x277: {  	v47 =	vor.u32 $0x200, v25;
	v48 =	vor.u32 $0x200, v26;
	v46 =	vor.u32 $0x200, v23;
	v1 =	vld.idx.msk [tilespmem:v28+s18+$0x0], $0xffff;
	[tilespmem:s1+$0x1E0] =	vst v0;
	s1 =	smov.u32 s0  }
0x278: {  	v49 =	vor.u32 $0x200, v27;
	v50 =	vor.u32 $0x200, v28;
	v51 =	vor.u32 $0x200, v21;
	v0 =	vld.idx.msk [tilespmem:v21+s18+$0x0], $0xffff;
	[tilespmem:s0+$0xFFFFFEF0] =	vst v6  }
0x279: {  	v18 =	vor.u32 $0x280, v25;
	v53 =	vor.u32 $0x200, v22;
	v52 =	vor.u32 $0x280, v23;
	[tilespmem:s0+$0xFFFFFE00] =	vst v5;
	v54 =	vld.idx.msk [tilespmem:v10+s18+$0x0], $0xffff  }
0x27a: {  	v20 =	vor.u32 $0x280, v26;
	v19 =	vor.u32 $0x280, v27;
	v15 =	vor.u32 $0x280, v28;
	[tilespmem:s0+$0xFFFFFE10] =	vst v4;
	v55 =	vld.idx.msk [tilespmem:v22+s18+$0x0], $0xffff  }
0x27b: {  	v57 =	vor.u32 $0x180, v3;
	v17 =	vor.u32 $0x280, v21;
	v16 =	vor.u32 $0x280, v22;
	v56 =	vld.idx.msk [tilespmem:v8+s18+$0x0], $0xffff;
	[tilespmem:s0+$0xFFFFFE20] =	vst v11  }
0x27c: {  	v13 =	vor.u32 $0x300, v25;
	v14 =	vor.u32 $0x300, v23;
	v10 =	vor.u32 $0x300, v26;
	v58 =	vld.idx.msk [tilespmem:v7+s18+$0x0], $0xffff;
	[tilespmem:s0+$0xFFFFFE30] =	vst v2  }
0x27d: {  	v12 =	vor.u32 $0x300, v27;
	v11 =	vor.u32 $0x300, v28;
	v8 =	vor.u32 $0x300, v21;
	v59 =	vld.idx.msk [tilespmem:v9+s18+$0x0], $0xffff;
	[tilespmem:s0+$0xFFFFFE40] =	vst v1  }
0x27e: {  	v6 =	vor.u32 $0x380, v25;
	v7 =	vor.u32 $0x380, v23;
	v9 =	vor.u32 $0x300, v22;
	v23 =	vld.idx.msk [tilespmem:v29+s18+$0x0], $0xffff;
	[tilespmem:s0+$0xFFFFFE50] =	vst v0  }
0x27f: {  	v5 =	vor.u32 $0x380, v26;
	v4 =	vor.u32 $0x380, v27;
	v2 =	vor.u32 $0x380, v28;
	v25 =	vld.idx.msk [tilespmem:v30+s18+$0x0], $0xffff;
	[tilespmem:s0+$0xFFFFFF70] =	vst v54  }
0x280: {  	v1 =	vor.u32 $0x380, v21;
	v0 =	vor.u32 $0x380, v22;
	[tilespmem:s0+$0xFFFFFE60] =	vst v55;
	v21 =	vld.idx.msk [tilespmem:v57+s18+$0x0], $0xffff  }
0x281: {  	[tilespmem:s0+$0xFFFFFE80] =	vst v56;
	v22 =	vld.idx.msk [tilespmem:v31+s18+$0x0], $0xffff  }
0x282: {  	v27 =	vor.u32 $0x200, v3;
	[tilespmem:s0+$0xFFFFFE90] =	vst v58;
	v26 =	vld.idx.msk [tilespmem:v32+s18+$0x0], $0xffff  }
0x283: {  	v24 =	vld.idx.msk [tilespmem:v24+s18+$0x0], $0xffff;
	[tilespmem:s0+$0xFFFFFEA0] =	vst v59  }
0x284: {  	v28 =	vld.idx.msk [tilespmem:v33+s18+$0x0], $0xffff;
	[tilespmem:s0+$0xFFFFFEB0] =	vst v23  }
0x285: {  	v23 =	vld.idx.msk [tilespmem:v34+s18+$0x0], $0xffff;
	[tilespmem:s0+$0xFFFFFEC0] =	vst v25  }
0x286: {  	v25 =	vld.idx.msk [tilespmem:v35+s18+$0x0], $0xffff;
	[tilespmem:s0+$0xFFFFFFF0] =	vst v21  }
0x287: {  	[tilespmem:s0+$0xFFFFFED0] =	vst v22;
	v21 =	vld.idx.msk [tilespmem:v27+s18+$0x0], $0xffff  }
0x288: {  	v22 =	vld.idx.msk [tilespmem:v36+s18+$0x0], $0xffff;
	[tilespmem:s0+$0xFFFFFEE0] =	vst v26  }
0x289: {  	v26 =	vor.u32 $0x280, v3;
	[tilespmem:s0+$0xFFFFFF00] =	vst v24;
	v24 =	vld.idx.msk [tilespmem:v37+s18+$0x0], $0xffff  }
0x28a: {  	[tilespmem:s0+$0xFFFFFF10] =	vst v28;
	v27 =	vld.idx.msk [tilespmem:v39+s18+$0x0], $0xffff  }
0x28b: {  	v28 =	vld.idx.msk [tilespmem:v38+s18+$0x0], $0xffff;
	[tilespmem:s0+$0xFFFFFF20] =	vst v23  }
0x28c: {  	v23 =	vld.idx.msk [tilespmem:v40+s18+$0x0], $0xffff;
	[tilespmem:s0+$0xFFFFFF30] =	vst v25  }
0x28d: {  	v25 =	vld.idx.msk [tilespmem:v41+s18+$0x0], $0xffff;
	[tilespmem:s0+$0x70] =	vst v21  }
0x28e: {  	[tilespmem:s0+$0xFFFFFF40] =	vst v22;
	v21 =	vld.idx.msk [tilespmem:v26+s18+$0x0], $0xffff  }
0x28f: {  	v22 =	vld.idx.msk [tilespmem:v42+s18+$0x0], $0xffff;
	[tilespmem:s0+$0xFFFFFF50] =	vst v24  }
0x290: {  	v26 =	vor.u32 $0x300, v3;
	v24 =	vld.idx.msk [tilespmem:v43+s18+$0x0], $0xffff;
	[tilespmem:s0+$0xFFFFFF60] =	vst v27  }
0x291: {  	[tilespmem:s0+$0xFFFFFF80] =	vst v28;
	v27 =	vld.idx.msk [tilespmem:v44+s18+$0x0], $0xffff  }
0x292: {  	[tilespmem:s0+$0xFFFFFF90] =	vst v23;
	v23 =	vld.idx.msk [tilespmem:v45+s18+$0x0], $0xffff  }
0x293: {  	v28 =	vld.idx.msk [tilespmem:v46+s18+$0x0], $0xffff;
	[tilespmem:s0+$0xFFFFFFA0] =	vst v25  }
0x294: {  	v25 =	vld.idx.msk [tilespmem:v47+s18+$0x0], $0xffff;
	[tilespmem:s0+$0xF0] =	vst v21  }
0x295: {  	[tilespmem:s0+$0xFFFFFFB0] =	vst v22;
	v21 =	vld.idx.msk [tilespmem:v26+s18+$0x0], $0xffff  }
0x296: {  	v22 =	vld.idx.msk [tilespmem:v48+s18+$0x0], $0xffff;
	[tilespmem:s0+$0xFFFFFFC0] =	vst v24  }
0x297: {  	v3 =	vor.u32 $0x380, v3;
	v24 =	vld.idx.msk [tilespmem:v49+s18+$0x0], $0xffff;
	[tilespmem:s0+$0xFFFFFFD0] =	vst v27  }
0x298: {  	v26 =	vld.idx.msk [tilespmem:v50+s18+$0x0], $0xffff;
	[tilespmem:s0+$0xFFFFFFE0] =	vst v23  }
0x299: {  	[tilespmem:s0+$0x0] =	vst v28;
	v23 =	vld.idx.msk [tilespmem:v51+s18+$0x0], $0xffff  }
0x29a: {  	[tilespmem:s0+$0x10] =	vst v25;
	v25 =	vld.idx.msk [tilespmem:v53+s18+$0x0], $0xffff  }
0x29b: {  	v27 =	vld.idx.msk [tilespmem:v52+s18+$0x0], $0xffff;
	[tilespmem:s0+$0x170] =	vst v21  }
0x29c: {  	[tilespmem:s0+$0x20] =	vst v22;
	v3 =	vld.idx.msk [tilespmem:v3+s18+$0x0], $0xffff  }
0x29d: {  	v18 =	vld.idx.msk [tilespmem:v18+s18+$0x0], $0xffff;
	[tilespmem:s0+$0x30] =	vst v24  }
0x29e: {  	v20 =	vld.idx.msk [tilespmem:v20+s18+$0x0], $0xffff;
	[tilespmem:s0+$0x40] =	vst v26  }
0x29f: {  	v19 =	vld.idx.msk [tilespmem:v19+s18+$0x0], $0xffff;
	[tilespmem:s0+$0x50] =	vst v23  }
0x2a0: {  	v21 =	vld.idx.msk [tilespmem:v15+s18+$0x0], $0xffff;
	[tilespmem:s0+$0x60] =	vst v25  }
0x2a1: {  	[tilespmem:s0+$0x80] =	vst v27;
	v17 =	vld.idx.msk [tilespmem:v17+s18+$0x0], $0xffff  }
0x2a2: {  	v15 =	vld.idx.msk [tilespmem:v16+s18+$0x0], $0xffff;
	[tilespmem:s0+$0x1F0] =	vst v3  }
.Ltmp6:
0x2a3: {  	v14 =	vld.idx.msk [tilespmem:v14+s18+$0x0], $0xffff;
	[tilespmem:s0+$0x90] =	vst v18;
	(pc) =	sbr.rel @p0 .LBB2_13-.Ltmp6, $4  }
0x2a4: {  	v13 =	vld.idx.msk [tilespmem:v13+s18+$0x0], $0xffff;
	[tilespmem:s0+$0xA0] =	vst v20  }
0x2a5: {  	v16 =	vld.idx.msk [tilespmem:v10+s18+$0x0], $0xffff;
	[tilespmem:s0+$0xB0] =	vst v19  }
0x2a6: {  	v3 =	vld.idx.msk [tilespmem:v12+s18+$0x0], $0xffff;
	[tilespmem:s0+$0xC0] =	vst v21  }
0x2a7: {  	s8 =	sadd.s32 $0x80, s8;
	v10 =	vld.idx.msk [tilespmem:v11+s18+$0x0], $0xffff;
	[tilespmem:s0+$0xD0] =	vst v17  }
0x2a8: {  	_ =	sdelay $0x2  }
0x2a9: {  	[tilespmem:s0+$0xE0] =	vst v15  }
0x2aa: {  	[tilespmem:s0+$0x100] =	vst v14;
	v8 =	vld.idx.msk [tilespmem:v8+s18+$0x0], $0xffff  }
0x2ab: {  	[tilespmem:s0+$0x110] =	vst v13;
	v9 =	vld.idx.msk [tilespmem:v9+s18+$0x0], $0xffff  }
0x2ac: {  	v7 =	vld.idx.msk [tilespmem:v7+s18+$0x0], $0xffff;
	[tilespmem:s0+$0x120] =	vst v16  }
0x2ad: {  	v63 =	vld.idx.msk [tilespmem:v6+s18+$0x0], $0xffff;
	[tilespmem:s0+$0x130] =	vst v3  }
0x2ae: {  	v5 =	vld.idx.msk [tilespmem:v5+s18+$0x0], $0xffff;
	[tilespmem:s0+$0x140] =	vst v10  }
0x2af: {  	v4 =	vld.idx.msk [tilespmem:v4+s18+$0x0], $0xffff;
	[tilespmem:s0+$0x150] =	vst v8  }
0x2b0: {  	v2 =	vld.idx.msk [tilespmem:v2+s18+$0x0], $0xffff;
	[tilespmem:s0+$0x160] =	vst v9  }
0x2b1: {  	[tilespmem:s0+$0x180] =	vst v7;
	v1 =	vld.idx.msk [tilespmem:v1+s18+$0x0], $0xffff  }
0x2b2: {  	[tilespmem:s1+$0x190] =	vst v63;
	v0 =	vld.idx.msk [tilespmem:v0+s18+$0x0], $0xffff  }
0x2b3: {  	[tilespmem:s1+$0x1A0] =	vst v5  }
0x2b4: {  	[tilespmem:s1+$0x1B0] =	vst v4  }
0x2b5: {  	[tilespmem:s1+$0x1C0] =	vst v2  }
0x2b6: {  	[tilespmem:s1+$0x1D0] =	vst v1  }
0x2b7: {  	[tilespmem:s1+$0x1E0] =	vst v0  }
0x2b8: {  	s0 =	rddreg [dreg:$0x6]  }
0x2b9: {  	[hbm4b:s0+s5] =	stream.linear.scatter [tilespmem:s22], [sflag:$0x4], $0x4000, $0x38;
	[tilespmem:$0x18800] =	vst v63  }
0x2ba: {  	_ =	swait.ge [sflag:s28], $0x4000  }
0x2bb: {  	[sflag:s28] =	ssyncset.done $0x0  }
0x2bc: {  	[sflag:s28] =	ssyncadd.s32 $0xFFFFC000  }
0x2bd: {  	_ =	swait.ge [sflag:s29], $0x4000  }
0x2be: {  	[sflag:s29] =	ssyncset.done $0x0  }
0x2bf: {  	[sflag:s29] =	ssyncadd.s32 $0xFFFFC000  }
0x2c0: {  	_ =	swait.ge [sflag:s30], $0x4000  }
0x2c1: {  	s31 =	sadd.s32 $0x1, s31;
	s16 =	rddreg [dreg:$0x7]  }
0x2c2: {  	p0 =	sne.s32 s31, s16  }
.Ltmp7:
0x2c3: {  	_ = 	snop;
	(pc) =	sbr.rel @p0 .LBB2_1-.Ltmp7, $3  }
0x2c4: {  	_ =	sdelay $0x1  }
0x2c5: {  	[sflag:s30] =	ssyncset.done $0x0  }
0x2c6: {  	[sflag:s30] =	ssyncadd.s32 $0xFFFFC000  }
0x2c7: {  	_ =	sfence.sel $0x180000  }
0x2c8: {  	[bflag:$0x0] =	sbarrier.arrive $0xFFFF  }
0x2c9: {  	_ =	strace $0x90000047  }
0x2ca: {  	s0 =	stileid.u32;
	[bflag:$0x2] =	sbarrier.arrive $0xFFFF  }
0x2cb: {  	p0 =	sne.s32 s0, $0x0;
	s0 =	rddreg [dreg:$0x3]  }
0x2cc: {  	s0 =	sadd.s32 @!p0 $0x100000, s0  }
0x2cd: {  	[sflag:s0] =	ssyncadd.tile.s32 @!p0 $0x1;
	_ =	shalt  }
.Lfunc_end2:
_tile_overlayer_lowered:
.L_overlay_start_2:
0x2ce: {  	(tag) =	ssettag $0x2  }
0x2cf: {  	s0 =	rddreg [dreg:$0x0];
	s2 =	stileid.u32  }
0x2d0: {  	s1 =	rddreg [dreg:$0x1];
	p0 =	sne.s32 s2, $0x0  }
0x2d1: {  	s3 =	rddreg [dreg:$0x2];
	[bflag:$0x3] =	sbarrier.arrive $0xFFFF;
	s2 =	simm.s32 @!p0 $0x1C07  }
0x2d2: {  	[timem:s3], [sflag:s2] =	dma.local @!p0 [hbm:s0], s1  }
0x2d3: {  	s0 =	simm.s32 @!p0 $0x7  }
0x2d4: {  	_ =	swait.ge @!p0 [sflag:s0], s1  }
0x2d5: {  	s1 =	ssub.s32 @!p0 $0x0, s1;
	[sflag:s0] =	ssyncset.done @!p0 $0x0  }
0x2d6: {  	[sflag:s0] =	ssyncadd.s32 @!p0 s1  }
0x2d7: {  	[bflag:$0x3] =	sbarrier.arrive $0xFFFF  }
0x2d8: {  	_ =	shalt  }

</sc_bundles>
